<compile_context>
chip_gen: v7x
topology: tpu7x:2x2x1
jax: 0.10.2.dev20260603
libtpu: 0.0.44.dev20260713+nightly
codegen_flags: <defaults>
</compile_context>

<pallas_src>
import functools

import jax
import jax.numpy as jnp
from jax import lax
from jax.experimental import pallas as pl
from jax.experimental.pallas import tpu as pltpu
from jax.experimental.pallas import tpu_sc as plsc

N, E, D, C = 10000, 320000, 128, 40

NC, NS = 2, 16
NW = NC * NS
CHUNK = 128
NCHUNK = 80
EPAD = NW * NCHUNK * CHUNK
RPT = 632
NPAD = RPT * NS

_mesh = plsc.VectorSubcoreMesh(core_axis_name="c", subcore_axis_name="s")


@functools.partial(
    pl.kernel,
    mesh=_mesh,
    out_type=jax.ShapeDtypeStruct((NC, NPAD, D), jnp.float32),
    scratch_types=[
        pltpu.VMEM((NCHUNK, CHUNK), jnp.int32),
        pltpu.VMEM((CHUNK,), jnp.int32),
        pltpu.VMEM((CHUNK,), jnp.int32),
        pltpu.VMEM((CHUNK, D), jnp.float32),
        pltpu.VMEM((CHUNK, D), jnp.float32),
        pltpu.VMEM_SHARED((NPAD, D), jnp.float32),
        pltpu.SemaphoreType.DMA,
        pltpu.SemaphoreType.DMA,
        pltpu.SemaphoreType.DMA,
        pltpu.SemaphoreType.DMA,
    ],
)
def _sc_agg(h_hbm, src_hbm, dst_hbm, zero_hbm, out_hbm,
            src_v, dbuf_a, dbuf_b, buf_a, buf_b, agg_sh,
            sg_a, sg_b, sd_a, sd_b):
    cid = lax.axis_index("c")
    sid = lax.axis_index("s")
    wid = sid * NC + cid
    rows_me = pl.ds(sid * RPT, RPT)

    pltpu.sync_copy(src_hbm.at[wid], src_v)
    pltpu.async_copy(dst_hbm.at[wid, 0], dbuf_a, sd_a)
    pltpu.async_copy(dst_hbm.at[wid, 1], dbuf_b, sd_b)
    pltpu.async_copy(h_hbm.at[src_v.at[0]], buf_a, sg_a)
    pltpu.async_copy(h_hbm.at[src_v.at[1]], buf_b, sg_b)

    pltpu.sync_copy(zero_hbm.at[rows_me], agg_sh.at[rows_me])
    plsc.subcore_barrier()

    def half_step(j, rows, dbuf, sg, sd):
        pltpu.make_async_copy(h_hbm.at[src_v.at[j]], rows, sg).wait()
        pltpu.make_async_copy(dst_hbm.at[wid, j], dbuf, sd).wait()
        pltpu.sync_copy(rows, agg_sh.at[dbuf], add=True)

        @pl.when(j + 2 < NCHUNK)
        def _():
            pltpu.async_copy(dst_hbm.at[wid, j + 2], dbuf, sd)
            pltpu.async_copy(h_hbm.at[src_v.at[j + 2]], rows, sg)

    def step(j, carry):
        half_step(2 * j, buf_a, dbuf_a, sg_a, sd_a)
        half_step(2 * j + 1, buf_b, dbuf_b, sg_b, sd_b)
        return carry

    lax.fori_loop(0, NCHUNK // 2, step, 0)

    plsc.subcore_barrier()
    pltpu.sync_copy(agg_sh.at[rows_me], out_hbm.at[cid, rows_me])


def _mlp_body(h_ref, agg_ref, wa_ref, ba_ref, g_ref, be_ref,
              wb_ref, bb_ref, out_ref):
    y = h_ref[...] + agg_ref[0, :N, :] + agg_ref[1, :N, :]
    t = jnp.dot(y, wa_ref[...], preferred_element_type=jnp.float32) + ba_ref[...]
    m = jnp.mean(t, axis=0, keepdims=True)
    v = jnp.mean((t - m) * (t - m), axis=0, keepdims=True)
    t = (t - m) * lax.rsqrt(v + 1e-5) * g_ref[...] + be_ref[...]
    t = jnp.maximum(t, 0.0)
    z = jnp.dot(t, wb_ref[...], preferred_element_type=jnp.float32) + bb_ref[...]
    out_ref[...] = jnp.maximum(z, 0.0)


_mlp = pl.pallas_call(
    _mlp_body,
    out_shape=jax.ShapeDtypeStruct((N, D), jnp.float32),
)


def _head_body(h_ref, w1_ref, b1_ref, w2_ref, b2_ref, out_ref):
    t = jnp.dot(h_ref[...], w1_ref[...], preferred_element_type=jnp.float32)
    t = jnp.maximum(t + b1_ref[...], 0.0)
    out_ref[...] = (
        jnp.dot(t, w2_ref[...], preferred_element_type=jnp.float32) + b2_ref[...]
    )


_head = pl.pallas_call(
    _head_body,
    out_shape=jax.ShapeDtypeStruct((N, C), jnp.float32),
)


def kernel(x, edge_index,
           W1a, b1a, g1, be1, W1b, b1b,
           W2a, b2a, g2, be2, W2b, b2b,
           W3a, b3a, g3, be3, W3b, b3b,
           Wl1, bl1, Wl2, bl2):
    pad = EPAD - E
    src = jnp.concatenate(
        [edge_index[0], jnp.zeros((pad,), jnp.int32)]).reshape(NW, NCHUNK, CHUNK)
    dump = N + jnp.arange(pad, dtype=jnp.int32) % (NPAD - N)
    dst = jnp.concatenate(
        [edge_index[1], dump]).reshape(NW, NCHUNK, CHUNK)
    zeros = jnp.zeros((NPAD, D), jnp.float32)

    h = x
    for wa, ba, g, be, wb, bb in (
        (W1a, b1a, g1, be1, W1b, b1b),
        (W2a, b2a, g2, be2, W2b, b2b),
        (W3a, b3a, g3, be3, W3b, b3b),
    ):
        agg = _sc_agg(h, src, dst, zeros)
        h = _mlp(h, agg,
                 wa, ba.reshape(1, D), g.reshape(1, D), be.reshape(1, D),
                 wb, bb.reshape(1, D))
    return _head(h, Wl1, bl1.reshape(1, D), Wl2, bl2.reshape(1, C))

# --- scband reference (transcript-rebuilt; emitter-appended) ---
"""Pipeline reference for scband-net-7473243095503 (READ-ONLY COPY).

The authoritative reference and input builder live on the scoring server;
editing this copy changes nothing except your own understanding.
"""

import jax, jax.numpy as jnp
import numpy as np

N, E, D, C = 10000, 320000, 128, 40


def setup_inputs(seed: int = 0) -> dict:
    key = jax.random.key(seed)
    ks = jax.random.split(key, 32)
    inp = {}
    inp['x'] = jax.random.normal(ks[0], (N, D), dtype=jnp.float32)
    inp['edge_index'] = jax.random.randint(ks[1], (2, E), 0, N, dtype=jnp.int32)
    ki = 2
    for layer in (1, 2, 3):
        inp[f'W{layer}a'] = jax.random.normal(ks[ki], (D, D), dtype=jnp.float32) * 0.1; ki += 1
        inp[f'b{layer}a'] = jnp.zeros((D,), dtype=jnp.float32)
        inp[f'g{layer}'] = jnp.ones((D,), dtype=jnp.float32)
        inp[f'be{layer}'] = jnp.zeros((D,), dtype=jnp.float32)
        inp[f'W{layer}b'] = jax.random.normal(ks[ki], (D, D), dtype=jnp.float32) * 0.1; ki += 1
        inp[f'b{layer}b'] = jnp.zeros((D,), dtype=jnp.float32)
    inp['Wl1'] = jax.random.normal(ks[ki], (D, D), dtype=jnp.float32) * 0.1; ki += 1
    inp['bl1'] = jnp.zeros((D,), dtype=jnp.float32)
    inp['Wl2'] = jax.random.normal(ks[ki], (D, C), dtype=jnp.float32) * 0.1; ki += 1
    inp['bl2'] = jnp.zeros((C,), dtype=jnp.float32)
    return inp


def _gin_layer(x, edge_index, Wa, ba, g, be, Wb, bb):
    # GINConv: h_i = MLP((1+eps)*x_i + sum_{j in N(i)} x_j), eps=0
    src, dst = edge_index[0], edge_index[1]
    agg = jnp.zeros_like(x).at[dst].add(x[src])
    h = x + agg
    # MLP: Linear -> BatchNorm1d (batch stats) -> ReLU -> Linear -> ReLU
    h = h @ Wa + ba
    mean = jnp.mean(h, axis=0)
    var = jnp.var(h, axis=0)
    h = (h - mean) / jnp.sqrt(var + 1e-5) * g + be
    h = jax.nn.relu(h)
    h = h @ Wb + bb
    return jax.nn.relu(h)


def reference(x, edge_index,
              W1a, b1a, g1, be1, W1b, b1b,
              W2a, b2a, g2, be2, W2b, b2b,
              W3a, b3a, g3, be3, W3b, b3b,
              Wl1, bl1, Wl2, bl2):
    h = _gin_layer(x, edge_index, W1a, b1a, g1, be1, W1b, b1b)
    h = _gin_layer(h, edge_index, W2a, b2a, g2, be2, W2b, b2b)
    h = _gin_layer(h, edge_index, W3a, b3a, g3, be3, W3b, b3b)
    h = jax.nn.relu(h @ Wl1 + bl1)
    # dropout p=0.5 is identity in eval mode
    out = h @ Wl2 + bl2
    return out

if __name__ == "__main__":
    import jax
    _d = setup_inputs()
    print(jax.jit(kernel)(*tuple(_d.values())))

</pallas_src>

<mosaic_0001>
#map = affine_map<(d0, d1) -> (0, 0)>
#map1 = affine_map<(d0, d1) -> (0, 0, 0)>
module attributes {stable_mosaic.version = 14 : i64} {
  func.func @_sc_agg(%arg0: i32, %arg1: i32, %arg2: memref<10000x128xf32, #tpu.memory_space<hbm>>, %arg3: memref<32x80x128xi32, #tpu.memory_space<hbm>>, %arg4: memref<32x80x128xi32, #tpu.memory_space<hbm>>, %arg5: memref<10112x128xf32, #tpu.memory_space<hbm>>, %arg6: memref<2x10112x128xf32, #tpu.memory_space<hbm>>, %arg7: memref<80x128xi32, #tpu.memory_space<vmem>>, %arg8: memref<128xi32, #tpu.memory_space<vmem>>, %arg9: memref<128xi32, #tpu.memory_space<vmem>>, %arg10: memref<128x128xf32, #tpu.memory_space<vmem>>, %arg11: memref<128x128xf32, #tpu.memory_space<vmem>>, %arg12: memref<10112x128xf32, #tpu.memory_space<vmem_shared>>, %arg13: memref<!tpu.dma_semaphore, #tpu.memory_space<semaphore_mem>>, %arg14: memref<!tpu.dma_semaphore, #tpu.memory_space<semaphore_mem>>, %arg15: memref<!tpu.dma_semaphore, #tpu.memory_space<semaphore_mem>>, %arg16: memref<!tpu.dma_semaphore, #tpu.memory_space<semaphore_mem>>) attributes {dimension_semantics = [#tpu.dimension_semantics<core_parallel>, #tpu.dimension_semantics<subcore_parallel>], iteration_bounds = array<i64: 2, 16>, scalar_prefetch = 0 : i64, scratch_operands = 10 : i64, tpu.core_type = #tpu.core_type<sc_vector_subcore>, window_params = [{transform_indices = #map}, {transform_indices = #map1}, {transform_indices = #map1}, {transform_indices = #map}, {transform_indices = #map1}]} {
    %mul3A = arith.constant 2 : i32
    %mul3A_0 = arith.muli %arg1, %mul3A : i32
    %add3A = arith.addi %mul3A_0, %arg0 : i32
    %mul3A_1 = arith.constant 632 : i32
    %mul3A_2 = arith.muli %arg1, %mul3A_1 : i32
    "tpu.region"() ({
      %run_scoped3A = tpu.sem_alloc : memref<!tpu.dma_semaphore, #tpu.memory_space<semaphore_mem>>
      %dma_start3A_36 = arith.constant 0 : i32
      %dma_start3A_37 = arith.constant 0 : i32
      %dma_start3A_38 = tpu.memref_slice %arg3[%add3A, %dma_start3A_36, %dma_start3A_37] : memref<32x80x128xi32, #tpu.memory_space<hbm>> -> memref<1x80x128xi32, #tpu.memory_space<hbm>>
      %dma_start3A_39 = tpu.memref_squeeze %dma_start3A_38 : memref<1x80x128xi32, #tpu.memory_space<hbm>> -> memref<80x128xi32, #tpu.memory_space<hbm>>
      %dma_start3A_40 = arith.constant 0 : i32
      %dma_start3A_41 = arith.constant 0 : i32
      %dma_start3A_42 = tpu.memref_slice %arg3[%add3A, %dma_start3A_40, %dma_start3A_41] : memref<32x80x128xi32, #tpu.memory_space<hbm>> -> memref<1x80x128xi32, #tpu.memory_space<hbm>>
      %dma_start3A_43 = tpu.memref_squeeze %dma_start3A_42 : memref<1x80x128xi32, #tpu.memory_space<hbm>> -> memref<80x128xi32, #tpu.memory_space<hbm>>
      tpu.enqueue_dma source(%dma_start3A_43 : memref<80x128xi32, #tpu.memory_space<hbm>>) target(%arg7 : memref<80x128xi32, #tpu.memory_space<vmem>>) target_semaphore(%run_scoped3A : memref<!tpu.dma_semaphore, #tpu.memory_space<semaphore_mem>>)
      %dma_wait3A = arith.constant 0 : i32
      %dma_wait3A_44 = arith.constant 0 : i32
      %dma_wait3A_45 = tpu.memref_slice %arg3[%add3A, %dma_wait3A, %dma_wait3A_44] : memref<32x80x128xi32, #tpu.memory_space<hbm>> -> memref<1x80x128xi32, #tpu.memory_space<hbm>>
      %dma_wait3A_46 = tpu.memref_squeeze %dma_wait3A_45 : memref<1x80x128xi32, #tpu.memory_space<hbm>> -> memref<80x128xi32, #tpu.memory_space<hbm>>
      %dma_wait3A_47 = arith.constant 0 : i32
      %dma_wait3A_48 = arith.constant 0 : i32
      %dma_wait3A_49 = tpu.memref_slice %arg3[%add3A, %dma_wait3A_47, %dma_wait3A_48] : memref<32x80x128xi32, #tpu.memory_space<hbm>> -> memref<1x80x128xi32, #tpu.memory_space<hbm>>
      %dma_wait3A_50 = tpu.memref_squeeze %dma_wait3A_49 : memref<1x80x128xi32, #tpu.memory_space<hbm>> -> memref<80x128xi32, #tpu.memory_space<hbm>>
      tpu.wait_dma2 semaphore(%run_scoped3A : memref<!tpu.dma_semaphore, #tpu.memory_space<semaphore_mem>>) src(%dma_wait3A_50 : memref<80x128xi32, #tpu.memory_space<hbm>>) dst(%arg7 : memref<80x128xi32, #tpu.memory_space<vmem>>)
      tpu.yield
    }) : () -> ()
    %dma_start3A = arith.constant 0 : i32
    %dma_start3A_3 = arith.constant 0 : i32
    %dma_start3A_4 = tpu.memref_slice %arg4[%add3A, %dma_start3A, %dma_start3A_3] : memref<32x80x128xi32, #tpu.memory_space<hbm>> -> memref<1x1x128xi32, #tpu.memory_space<hbm>>
    %dma_start3A_5 = tpu.memref_squeeze %dma_start3A_4 : memref<1x1x128xi32, #tpu.memory_space<hbm>> -> memref<128xi32, #tpu.memory_space<hbm>>
    %dma_start3A_6 = arith.constant 0 : i32
    %dma_start3A_7 = tpu.memref_slice %arg4[%add3A, %dma_start3A, %dma_start3A_6] : memref<32x80x128xi32, #tpu.memory_space<hbm>> -> memref<1x1x128xi32, #tpu.memory_space<hbm>>
    %dma_start3A_8 = tpu.memref_squeeze %dma_start3A_7 : memref<1x1x128xi32, #tpu.memory_space<hbm>> -> memref<128xi32, #tpu.memory_space<hbm>>
    tpu.enqueue_dma source(%dma_start3A_8 : memref<128xi32, #tpu.memory_space<hbm>>) target(%arg8 : memref<128xi32, #tpu.memory_space<vmem>>) target_semaphore(%arg15 : memref<!tpu.dma_semaphore, #tpu.memory_space<semaphore_mem>>)
    %dma_start3A_9 = arith.constant 1 : i32
    %dma_start3A_10 = arith.constant 0 : i32
    %dma_start3A_11 = tpu.memref_slice %arg4[%add3A, %dma_start3A_9, %dma_start3A_10] : memref<32x80x128xi32, #tpu.memory_space<hbm>> -> memref<1x1x128xi32, #tpu.memory_space<hbm>>
    %dma_start3A_12 = tpu.memref_squeeze %dma_start3A_11 : memref<1x1x128xi32, #tpu.memory_space<hbm>> -> memref<128xi32, #tpu.memory_space<hbm>>
    %dma_start3A_13 = arith.constant 0 : i32
    %dma_start3A_14 = tpu.memref_slice %arg4[%add3A, %dma_start3A_9, %dma_start3A_13] : memref<32x80x128xi32, #tpu.memory_space<hbm>> -> memref<1x1x128xi32, #tpu.memory_space<hbm>>
    %dma_start3A_15 = tpu.memref_squeeze %dma_start3A_14 : memref<1x1x128xi32, #tpu.memory_space<hbm>> -> memref<128xi32, #tpu.memory_space<hbm>>
    tpu.enqueue_dma source(%dma_start3A_15 : memref<128xi32, #tpu.memory_space<hbm>>) target(%arg9 : memref<128xi32, #tpu.memory_space<vmem>>) target_semaphore(%arg16 : memref<!tpu.dma_semaphore, #tpu.memory_space<semaphore_mem>>)
    %dma_start3A_16 = arith.constant 0 : i32
    %dma_start3A_17 = arith.constant 0 : i32
    %dma_start3A_18 = tpu.memref_slice %arg7[%dma_start3A_16, %dma_start3A_17] : memref<80x128xi32, #tpu.memory_space<vmem>> -> memref<1x128xi32, #tpu.memory_space<vmem>>
    %dma_start3A_19 = tpu.memref_squeeze %dma_start3A_18 : memref<1x128xi32, #tpu.memory_space<vmem>> -> memref<128xi32, #tpu.memory_space<vmem>>
    %dma_start3A_20 = arith.constant 0 : i32
    %dma_start3A_21 = arith.constant 0 : i32
    %dma_start3A_22 = tpu.memref_slice %arg2[%dma_start3A_20, %dma_start3A_21] : memref<10000x128xf32, #tpu.memory_space<hbm>> -> memref<10000x128xf32, #tpu.memory_space<hbm>>
    tpu.enqueue_indirect_dma source(%dma_start3A_22 : memref<10000x128xf32, #tpu.memory_space<hbm>>) target(%arg10 : memref<128x128xf32, #tpu.memory_space<vmem>>) offsets(%dma_start3A_19 : memref<128xi32, #tpu.memory_space<vmem>>) semaphore(%arg13 : memref<!tpu.dma_semaphore, #tpu.memory_space<semaphore_mem>>)
    %dma_start3A_23 = arith.constant 1 : i32
    %dma_start3A_24 = arith.constant 0 : i32
    %dma_start3A_25 = tpu.memref_slice %arg7[%dma_start3A_23, %dma_start3A_24] : memref<80x128xi32, #tpu.memory_space<vmem>> -> memref<1x128xi32, #tpu.memory_space<vmem>>
    %dma_start3A_26 = tpu.memref_squeeze %dma_start3A_25 : memref<1x128xi32, #tpu.memory_space<vmem>> -> memref<128xi32, #tpu.memory_space<vmem>>
    %dma_start3A_27 = arith.constant 0 : i32
    %dma_start3A_28 = arith.constant 0 : i32
    %dma_start3A_29 = tpu.memref_slice %arg2[%dma_start3A_27, %dma_start3A_28] : memref<10000x128xf32, #tpu.memory_space<hbm>> -> memref<10000x128xf32, #tpu.memory_space<hbm>>
    tpu.enqueue_indirect_dma source(%dma_start3A_29 : memref<10000x128xf32, #tpu.memory_space<hbm>>) target(%arg11 : memref<128x128xf32, #tpu.memory_space<vmem>>) offsets(%dma_start3A_26 : memref<128xi32, #tpu.memory_space<vmem>>) semaphore(%arg14 : memref<!tpu.dma_semaphore, #tpu.memory_space<semaphore_mem>>)
    "tpu.region"() ({
      %run_scoped3A = tpu.sem_alloc : memref<!tpu.dma_semaphore, #tpu.memory_space<semaphore_mem>>
      %dma_start3A_36 = arith.constant 0 : i32
      %dma_start3A_37 = tpu.memref_slice %arg12[%mul3A_2, %dma_start3A_36] : memref<10112x128xf32, #tpu.memory_space<vmem_shared>> -> memref<632x128xf32, #tpu.memory_space<vmem_shared>>
      %dma_start3A_38 = arith.constant 0 : i32
      %dma_start3A_39 = tpu.memref_slice %arg5[%mul3A_2, %dma_start3A_38] : memref<10112x128xf32, #tpu.memory_space<hbm>> -> memref<632x128xf32, #tpu.memory_space<hbm>>
      tpu.enqueue_dma source(%dma_start3A_39 : memref<632x128xf32, #tpu.memory_space<hbm>>) target(%dma_start3A_37 : memref<632x128xf32, #tpu.memory_space<vmem_shared>>) target_semaphore(%run_scoped3A : memref<!tpu.dma_semaphore, #tpu.memory_space<semaphore_mem>>)
      %dma_wait3A = arith.constant 0 : i32
      %dma_wait3A_40 = tpu.memref_slice %arg12[%mul3A_2, %dma_wait3A] : memref<10112x128xf32, #tpu.memory_space<vmem_shared>> -> memref<632x128xf32, #tpu.memory_space<vmem_shared>>
      %dma_wait3A_41 = arith.constant 0 : i32
      %dma_wait3A_42 = tpu.memref_slice %arg5[%mul3A_2, %dma_wait3A_41] : memref<10112x128xf32, #tpu.memory_space<hbm>> -> memref<632x128xf32, #tpu.memory_space<hbm>>
      tpu.wait_dma2 semaphore(%run_scoped3A : memref<!tpu.dma_semaphore, #tpu.memory_space<semaphore_mem>>) src(%dma_wait3A_42 : memref<632x128xf32, #tpu.memory_space<hbm>>) dst(%dma_wait3A_40 : memref<632x128xf32, #tpu.memory_space<vmem_shared>>)
      tpu.yield
    }) : () -> ()
    %barrier3A = arith.constant 0 : index
    tpu.barrier barrier_id(%barrier3A)
    %scan3A = arith.constant 0 : i32
    %scan3A_30 = arith.constant 0 : i32
    %scan3A_31 = arith.constant 40 : i32
    %scan3A_32 = arith.addi %scan3A_30, %scan3A_31 : i32
    %scan3A_33 = arith.constant 1 : i32
    scf.for %scan3A_36 = %scan3A_30 to %scan3A_32 step %scan3A_33  : i32 {
      %mul3A_37 = arith.constant 2 : i32
      %mul3A_38 = arith.muli %mul3A_37, %scan3A_36 : i32
      %dma_wait3A = arith.constant 0 : i32
      %dma_wait3A_39 = tpu.memref_slice %arg7[%mul3A_38, %dma_wait3A] : memref<80x128xi32, #tpu.memory_space<vmem>> -> memref<1x128xi32, #tpu.memory_space<vmem>>
      %dma_wait3A_40 = tpu.memref_squeeze %dma_wait3A_39 : memref<1x128xi32, #tpu.memory_space<vmem>> -> memref<128xi32, #tpu.memory_space<vmem>>
      %dma_wait3A_41 = arith.constant 0 : i32
      %dma_wait3A_42 = arith.constant 0 : i32
      %dma_wait3A_43 = tpu.memref_slice %arg2[%dma_wait3A_41, %dma_wait3A_42] : memref<10000x128xf32, #tpu.memory_space<hbm>> -> memref<10000x128xf32, #tpu.memory_space<hbm>>
      tpu.wait_indirect_dma semaphore(%arg13 : memref<!tpu.dma_semaphore, #tpu.memory_space<semaphore_mem>>) src(%dma_wait3A_43 : memref<10000x128xf32, #tpu.memory_space<hbm>>) dst(%arg10 : memref<128x128xf32, #tpu.memory_space<vmem>>)
      %dma_wait3A_44 = arith.constant 0 : i32
      %dma_wait3A_45 = tpu.memref_slice %arg4[%add3A, %mul3A_38, %dma_wait3A_44] : memref<32x80x128xi32, #tpu.memory_space<hbm>> -> memref<1x1x128xi32, #tpu.memory_space<hbm>>
      %dma_wait3A_46 = tpu.memref_squeeze %dma_wait3A_45 : memref<1x1x128xi32, #tpu.memory_space<hbm>> -> memref<128xi32, #tpu.memory_space<hbm>>
      %dma_wait3A_47 = arith.constant 0 : i32
      %dma_wait3A_48 = tpu.memref_slice %arg4[%add3A, %mul3A_38, %dma_wait3A_47] : memref<32x80x128xi32, #tpu.memory_space<hbm>> -> memref<1x1x128xi32, #tpu.memory_space<hbm>>
      %dma_wait3A_49 = tpu.memref_squeeze %dma_wait3A_48 : memref<1x1x128xi32, #tpu.memory_space<hbm>> -> memref<128xi32, #tpu.memory_space<hbm>>
      tpu.wait_dma2 semaphore(%arg15 : memref<!tpu.dma_semaphore, #tpu.memory_space<semaphore_mem>>) src(%dma_wait3A_49 : memref<128xi32, #tpu.memory_space<hbm>>) dst(%arg8 : memref<128xi32, #tpu.memory_space<vmem>>)
      "tpu.region"() ({
        %run_scoped3A = tpu.sem_alloc : memref<!tpu.dma_semaphore, #tpu.memory_space<semaphore_mem>>
        %dma_start3A_77 = arith.constant 0 : i32
        %dma_start3A_78 = arith.constant 0 : i32
        %dma_start3A_79 = tpu.memref_slice %arg12[%dma_start3A_77, %dma_start3A_78] : memref<10112x128xf32, #tpu.memory_space<vmem_shared>> -> memref<10112x128xf32, #tpu.memory_space<vmem_shared>>
        tpu.enqueue_indirect_dma source(%arg10 : memref<128x128xf32, #tpu.memory_space<vmem>>) target(%dma_start3A_79 : memref<10112x128xf32, #tpu.memory_space<vmem_shared>>) offsets(%arg8 : memref<128xi32, #tpu.memory_space<vmem>>) semaphore(%run_scoped3A : memref<!tpu.dma_semaphore, #tpu.memory_space<semaphore_mem>>) {add = true}
        %dma_wait3A_80 = arith.constant 0 : i32
        %dma_wait3A_81 = arith.constant 0 : i32
        %dma_wait3A_82 = tpu.memref_slice %arg12[%dma_wait3A_80, %dma_wait3A_81] : memref<10112x128xf32, #tpu.memory_space<vmem_shared>> -> memref<10112x128xf32, #tpu.memory_space<vmem_shared>>
        tpu.wait_indirect_dma semaphore(%run_scoped3A : memref<!tpu.dma_semaphore, #tpu.memory_space<semaphore_mem>>) src(%arg10 : memref<128x128xf32, #tpu.memory_space<vmem>>) dst(%dma_wait3A_82 : memref<10112x128xf32, #tpu.memory_space<vmem_shared>>)
        tpu.yield
      }) : () -> ()
      %add3A_50 = arith.constant 2 : i32
      %add3A_51 = arith.addi %mul3A_38, %add3A_50 : i32
      %lt3A = arith.constant 80 : i32
      %lt3A_52 = arith.cmpi slt, %add3A_51, %lt3A : i32
      %convert_element_type3A = arith.extui %lt3A_52 : i1 to i32
      %cond3A = arith.constant 0 : i32
      %cond3A_53 = arith.cmpi ne, %convert_element_type3A, %cond3A : i32
      scf.if %cond3A_53 {
        %add3A_77 = arith.constant 2 : i32
        %add3A_78 = arith.addi %mul3A_38, %add3A_77 : i32
        %dma_start3A_79 = arith.constant 0 : i32
        %dma_start3A_80 = tpu.memref_slice %arg4[%add3A, %add3A_78, %dma_start3A_79] : memref<32x80x128xi32, #tpu.memory_space<hbm>> -> memref<1x1x128xi32, #tpu.memory_space<hbm>>
        %dma_start3A_81 = tpu.memref_squeeze %dma_start3A_80 : memref<1x1x128xi32, #tpu.memory_space<hbm>> -> memref<128xi32, #tpu.memory_space<hbm>>
        %dma_start3A_82 = arith.constant 0 : i32
        %dma_start3A_83 = tpu.memref_slice %arg4[%add3A, %add3A_78, %dma_start3A_82] : memref<32x80x128xi32, #tpu.memory_space<hbm>> -> memref<1x1x128xi32, #tpu.memory_space<hbm>>
        %dma_start3A_84 = tpu.memref_squeeze %dma_start3A_83 : memref<1x1x128xi32, #tpu.memory_space<hbm>> -> memref<128xi32, #tpu.memory_space<hbm>>
        tpu.enqueue_dma source(%dma_start3A_84 : memref<128xi32, #tpu.memory_space<hbm>>) target(%arg8 : memref<128xi32, #tpu.memory_space<vmem>>) target_semaphore(%arg15 : memref<!tpu.dma_semaphore, #tpu.memory_space<semaphore_mem>>)
        %add3A_85 = arith.constant 2 : i32
        %add3A_86 = arith.addi %mul3A_38, %add3A_85 : i32
        %dma_start3A_87 = arith.constant 0 : i32
        %dma_start3A_88 = tpu.memref_slice %arg7[%add3A_86, %dma_start3A_87] : memref<80x128xi32, #tpu.memory_space<vmem>> -> memref<1x128xi32, #tpu.memory_space<vmem>>
        %dma_start3A_89 = tpu.memref_squeeze %dma_start3A_88 : memref<1x128xi32, #tpu.memory_space<vmem>> -> memref<128xi32, #tpu.memory_space<vmem>>
        %dma_start3A_90 = arith.constant 0 : i32
        %dma_start3A_91 = arith.constant 0 : i32
        %dma_start3A_92 = tpu.memref_slice %arg2[%dma_start3A_90, %dma_start3A_91] : memref<10000x128xf32, #tpu.memory_space<hbm>> -> memref<10000x128xf32, #tpu.memory_space<hbm>>
        tpu.enqueue_indirect_dma source(%dma_start3A_92 : memref<10000x128xf32, #tpu.memory_space<hbm>>) target(%arg10 : memref<128x128xf32, #tpu.memory_space<vmem>>) offsets(%dma_start3A_89 : memref<128xi32, #tpu.memory_space<vmem>>) semaphore(%arg13 : memref<!tpu.dma_semaphore, #tpu.memory_space<semaphore_mem>>)
      } else {
      }
      %mul3A_54 = arith.constant 2 : i32
      %mul3A_55 = arith.muli %mul3A_54, %scan3A_36 : i32
      %add3A_56 = arith.constant 1 : i32
      %add3A_57 = arith.addi %mul3A_55, %add3A_56 : i32
      %dma_wait3A_58 = arith.constant 0 : i32
      %dma_wait3A_59 = tpu.memref_slice %arg7[%add3A_57, %dma_wait3A_58] : memref<80x128xi32, #tpu.memory_space<vmem>> -> memref<1x128xi32, #tpu.memory_space<vmem>>
      %dma_wait3A_60 = tpu.memref_squeeze %dma_wait3A_59 : memref<1x128xi32, #tpu.memory_space<vmem>> -> memref<128xi32, #tpu.memory_space<vmem>>
      %dma_wait3A_61 = arith.constant 0 : i32
      %dma_wait3A_62 = arith.constant 0 : i32
      %dma_wait3A_63 = tpu.memref_slice %arg2[%dma_wait3A_61, %dma_wait3A_62] : memref<10000x128xf32, #tpu.memory_space<hbm>> -> memref<10000x128xf32, #tpu.memory_space<hbm>>
      tpu.wait_indirect_dma semaphore(%arg14 : memref<!tpu.dma_semaphore, #tpu.memory_space<semaphore_mem>>) src(%dma_wait3A_63 : memref<10000x128xf32, #tpu.memory_space<hbm>>) dst(%arg11 : memref<128x128xf32, #tpu.memory_space<vmem>>)
      %dma_wait3A_64 = arith.constant 0 : i32
      %dma_wait3A_65 = tpu.memref_slice %arg4[%add3A, %add3A_57, %dma_wait3A_64] : memref<32x80x128xi32, #tpu.memory_space<hbm>> -> memref<1x1x128xi32, #tpu.memory_space<hbm>>
      %dma_wait3A_66 = tpu.memref_squeeze %dma_wait3A_65 : memref<1x1x128xi32, #tpu.memory_space<hbm>> -> memref<128xi32, #tpu.memory_space<hbm>>
      %dma_wait3A_67 = arith.constant 0 : i32
      %dma_wait3A_68 = tpu.memref_slice %arg4[%add3A, %add3A_57, %dma_wait3A_67] : memref<32x80x128xi32, #tpu.memory_space<hbm>> -> memref<1x1x128xi32, #tpu.memory_space<hbm>>
      %dma_wait3A_69 = tpu.memref_squeeze %dma_wait3A_68 : memref<1x1x128xi32, #tpu.memory_space<hbm>> -> memref<128xi32, #tpu.memory_space<hbm>>
      tpu.wait_dma2 semaphore(%arg16 : memref<!tpu.dma_semaphore, #tpu.memory_space<semaphore_mem>>) src(%dma_wait3A_69 : memref<128xi32, #tpu.memory_space<hbm>>) dst(%arg9 : memref<128xi32, #tpu.memory_space<vmem>>)
      "tpu.region"() ({
        %run_scoped3A = tpu.sem_alloc : memref<!tpu.dma_semaphore, #tpu.memory_space<semaphore_mem>>
        %dma_start3A_77 = arith.constant 0 : i32
        %dma_start3A_78 = arith.constant 0 : i32
        %dma_start3A_79 = tpu.memref_slice %arg12[%dma_start3A_77, %dma_start3A_78] : memref<10112x128xf32, #tpu.memory_space<vmem_shared>> -> memref<10112x128xf32, #tpu.memory_space<vmem_shared>>
        tpu.enqueue_indirect_dma source(%arg11 : memref<128x128xf32, #tpu.memory_space<vmem>>) target(%dma_start3A_79 : memref<10112x128xf32, #tpu.memory_space<vmem_shared>>) offsets(%arg9 : memref<128xi32, #tpu.memory_space<vmem>>) semaphore(%run_scoped3A : memref<!tpu.dma_semaphore, #tpu.memory_space<semaphore_mem>>) {add = true}
        %dma_wait3A_80 = arith.constant 0 : i32
        %dma_wait3A_81 = arith.constant 0 : i32
        %dma_wait3A_82 = tpu.memref_slice %arg12[%dma_wait3A_80, %dma_wait3A_81] : memref<10112x128xf32, #tpu.memory_space<vmem_shared>> -> memref<10112x128xf32, #tpu.memory_space<vmem_shared>>
        tpu.wait_indirect_dma semaphore(%run_scoped3A : memref<!tpu.dma_semaphore, #tpu.memory_space<semaphore_mem>>) src(%arg11 : memref<128x128xf32, #tpu.memory_space<vmem>>) dst(%dma_wait3A_82 : memref<10112x128xf32, #tpu.memory_space<vmem_shared>>)
        tpu.yield
      }) : () -> ()
      %add3A_70 = arith.constant 2 : i32
      %add3A_71 = arith.addi %add3A_57, %add3A_70 : i32
      %lt3A_72 = arith.constant 80 : i32
      %lt3A_73 = arith.cmpi slt, %add3A_71, %lt3A_72 : i32
      %convert_element_type3A_74 = arith.extui %lt3A_73 : i1 to i32
      %cond3A_75 = arith.constant 0 : i32
      %cond3A_76 = arith.cmpi ne, %convert_element_type3A_74, %cond3A_75 : i32
      scf.if %cond3A_76 {
        %add3A_77 = arith.constant 2 : i32
        %add3A_78 = arith.addi %add3A_57, %add3A_77 : i32
        %dma_start3A_79 = arith.constant 0 : i32
        %dma_start3A_80 = tpu.memref_slice %arg4[%add3A, %add3A_78, %dma_start3A_79] : memref<32x80x128xi32, #tpu.memory_space<hbm>> -> memref<1x1x128xi32, #tpu.memory_space<hbm>>
        %dma_start3A_81 = tpu.memref_squeeze %dma_start3A_80 : memref<1x1x128xi32, #tpu.memory_space<hbm>> -> memref<128xi32, #tpu.memory_space<hbm>>
        %dma_start3A_82 = arith.constant 0 : i32
        %dma_start3A_83 = tpu.memref_slice %arg4[%add3A, %add3A_78, %dma_start3A_82] : memref<32x80x128xi32, #tpu.memory_space<hbm>> -> memref<1x1x128xi32, #tpu.memory_space<hbm>>
        %dma_start3A_84 = tpu.memref_squeeze %dma_start3A_83 : memref<1x1x128xi32, #tpu.memory_space<hbm>> -> memref<128xi32, #tpu.memory_space<hbm>>
        tpu.enqueue_dma source(%dma_start3A_84 : memref<128xi32, #tpu.memory_space<hbm>>) target(%arg9 : memref<128xi32, #tpu.memory_space<vmem>>) target_semaphore(%arg16 : memref<!tpu.dma_semaphore, #tpu.memory_space<semaphore_mem>>)
        %add3A_85 = arith.constant 2 : i32
        %add3A_86 = arith.addi %add3A_57, %add3A_85 : i32
        %dma_start3A_87 = arith.constant 0 : i32
        %dma_start3A_88 = tpu.memref_slice %arg7[%add3A_86, %dma_start3A_87] : memref<80x128xi32, #tpu.memory_space<vmem>> -> memref<1x128xi32, #tpu.memory_space<vmem>>
        %dma_start3A_89 = tpu.memref_squeeze %dma_start3A_88 : memref<1x128xi32, #tpu.memory_space<vmem>> -> memref<128xi32, #tpu.memory_space<vmem>>
        %dma_start3A_90 = arith.constant 0 : i32
        %dma_start3A_91 = arith.constant 0 : i32
        %dma_start3A_92 = tpu.memref_slice %arg2[%dma_start3A_90, %dma_start3A_91] : memref<10000x128xf32, #tpu.memory_space<hbm>> -> memref<10000x128xf32, #tpu.memory_space<hbm>>
        tpu.enqueue_indirect_dma source(%dma_start3A_92 : memref<10000x128xf32, #tpu.memory_space<hbm>>) target(%arg11 : memref<128x128xf32, #tpu.memory_space<vmem>>) offsets(%dma_start3A_89 : memref<128xi32, #tpu.memory_space<vmem>>) semaphore(%arg14 : memref<!tpu.dma_semaphore, #tpu.memory_space<semaphore_mem>>)
      } else {
      }
    }
    %scan3A_34 = arith.constant 40 : i32
    %barrier3A_35 = arith.constant 0 : index
    tpu.barrier barrier_id(%barrier3A_35)
    "tpu.region"() ({
      %run_scoped3A = tpu.sem_alloc : memref<!tpu.dma_semaphore, #tpu.memory_space<semaphore_mem>>
      %dma_start3A_36 = arith.constant 0 : i32
      %dma_start3A_37 = tpu.memref_slice %arg6[%arg0, %mul3A_2, %dma_start3A_36] : memref<2x10112x128xf32, #tpu.memory_space<hbm>> -> memref<1x632x128xf32, #tpu.memory_space<hbm>>
      %dma_start3A_38 = tpu.memref_squeeze %dma_start3A_37 : memref<1x632x128xf32, #tpu.memory_space<hbm>> -> memref<632x128xf32, #tpu.memory_space<hbm>>
      %dma_start3A_39 = arith.constant 0 : i32
      %dma_start3A_40 = tpu.memref_slice %arg12[%mul3A_2, %dma_start3A_39] : memref<10112x128xf32, #tpu.memory_space<vmem_shared>> -> memref<632x128xf32, #tpu.memory_space<vmem_shared>>
      tpu.enqueue_dma source(%dma_start3A_40 : memref<632x128xf32, #tpu.memory_space<vmem_shared>>) target(%dma_start3A_38 : memref<632x128xf32, #tpu.memory_space<hbm>>) target_semaphore(%run_scoped3A : memref<!tpu.dma_semaphore, #tpu.memory_space<semaphore_mem>>)
      %dma_wait3A = arith.constant 0 : i32
      %dma_wait3A_41 = tpu.memref_slice %arg6[%arg0, %mul3A_2, %dma_wait3A] : memref<2x10112x128xf32, #tpu.memory_space<hbm>> -> memref<1x632x128xf32, #tpu.memory_space<hbm>>
      %dma_wait3A_42 = tpu.memref_squeeze %dma_wait3A_41 : memref<1x632x128xf32, #tpu.memory_space<hbm>> -> memref<632x128xf32, #tpu.memory_space<hbm>>
      %dma_wait3A_43 = arith.constant 0 : i32
      %dma_wait3A_44 = tpu.memref_slice %arg12[%mul3A_2, %dma_wait3A_43] : memref<10112x128xf32, #tpu.memory_space<vmem_shared>> -> memref<632x128xf32, #tpu.memory_space<vmem_shared>>
      tpu.wait_dma2 semaphore(%run_scoped3A : memref<!tpu.dma_semaphore, #tpu.memory_space<semaphore_mem>>) src(%dma_wait3A_44 : memref<632x128xf32, #tpu.memory_space<vmem_shared>>) dst(%dma_wait3A_42 : memref<632x128xf32, #tpu.memory_space<hbm>>)
      tpu.yield
    }) : () -> ()
    return
  }
}

#map = affine_map<(d0, d1) -> (0, 0)>
#map1 = affine_map<(d0, d1) -> (0, 0, 0)>
module attributes {stable_mosaic.version = 14 : i64} {
  func.func @_sc_agg(%arg0: i32, %arg1: i32, %arg2: memref<10000x128xf32, #tpu.memory_space<hbm>>, %arg3: memref<32x80x128xi32, #tpu.memory_space<hbm>>, %arg4: memref<32x80x128xi32, #tpu.memory_space<hbm>>, %arg5: memref<10112x128xf32, #tpu.memory_space<hbm>>, %arg6: memref<2x10112x128xf32, #tpu.memory_space<hbm>>, %arg7: memref<80x128xi32, #tpu.memory_space<vmem>>, %arg8: memref<128xi32, #tpu.memory_space<vmem>>, %arg9: memref<128xi32, #tpu.memory_space<vmem>>, %arg10: memref<128x128xf32, #tpu.memory_space<vmem>>, %arg11: memref<128x128xf32, #tpu.memory_space<vmem>>, %arg12: memref<10112x128xf32, #tpu.memory_space<vmem_shared>>, %arg13: memref<!tpu.dma_semaphore, #tpu.memory_space<semaphore_mem>>, %arg14: memref<!tpu.dma_semaphore, #tpu.memory_space<semaphore_mem>>, %arg15: memref<!tpu.dma_semaphore, #tpu.memory_space<semaphore_mem>>, %arg16: memref<!tpu.dma_semaphore, #tpu.memory_space<semaphore_mem>>) attributes {dimension_semantics = [#tpu.dimension_semantics<core_parallel>, #tpu.dimension_semantics<subcore_parallel>], iteration_bounds = array<i64: 2, 16>, scalar_prefetch = 0 : i64, scratch_operands = 10 : i64, tpu.core_type = #tpu.core_type<sc_vector_subcore>, window_params = [{transform_indices = #map}, {transform_indices = #map1}, {transform_indices = #map1}, {transform_indices = #map}, {transform_indices = #map1}]} {
    %mul3A = arith.constant 2 : i32
    %mul3A_0 = arith.muli %arg1, %mul3A : i32
    %add3A = arith.addi %mul3A_0, %arg0 : i32
    %mul3A_1 = arith.constant 632 : i32
    %mul3A_2 = arith.muli %arg1, %mul3A_1 : i32
    "tpu.region"() ({
      %run_scoped3A = tpu.sem_alloc : memref<!tpu.dma_semaphore, #tpu.memory_space<semaphore_mem>>
      %dma_start3A_36 = arith.constant 0 : i32
      %dma_start3A_37 = arith.constant 0 : i32
      %dma_start3A_38 = tpu.memref_slice %arg3[%add3A, %dma_start3A_36, %dma_start3A_37] : memref<32x80x128xi32, #tpu.memory_space<hbm>> -> memref<1x80x128xi32, #tpu.memory_space<hbm>>
      %dma_start3A_39 = tpu.memref_squeeze %dma_start3A_38 : memref<1x80x128xi32, #tpu.memory_space<hbm>> -> memref<80x128xi32, #tpu.memory_space<hbm>>
      %dma_start3A_40 = arith.constant 0 : i32
      %dma_start3A_41 = arith.constant 0 : i32
      %dma_start3A_42 = tpu.memref_slice %arg3[%add3A, %dma_start3A_40, %dma_start3A_41] : memref<32x80x128xi32, #tpu.memory_space<hbm>> -> memref<1x80x128xi32, #tpu.memory_space<hbm>>
      %dma_start3A_43 = tpu.memref_squeeze %dma_start3A_42 : memref<1x80x128xi32, #tpu.memory_space<hbm>> -> memref<80x128xi32, #tpu.memory_space<hbm>>
      tpu.enqueue_dma source(%dma_start3A_43 : memref<80x128xi32, #tpu.memory_space<hbm>>) target(%arg7 : memref<80x128xi32, #tpu.memory_space<vmem>>) target_semaphore(%run_scoped3A : memref<!tpu.dma_semaphore, #tpu.memory_space<semaphore_mem>>)
      %dma_wait3A = arith.constant 0 : i32
      %dma_wait3A_44 = arith.constant 0 : i32
      %dma_wait3A_45 = tpu.memref_slice %arg3[%add3A, %dma_wait3A, %dma_wait3A_44] : memref<32x80x128xi32, #tpu.memory_space<hbm>> -> memref<1x80x128xi32, #tpu.memory_space<hbm>>
      %dma_wait3A_46 = tpu.memref_squeeze %dma_wait3A_45 : memref<1x80x128xi32, #tpu.memory_space<hbm>> -> memref<80x128xi32, #tpu.memory_space<hbm>>
      %dma_wait3A_47 = arith.constant 0 : i32
      %dma_wait3A_48 = arith.constant 0 : i32
      %dma_wait3A_49 = tpu.memref_slice %arg3[%add3A, %dma_wait3A_47, %dma_wait3A_48] : memref<32x80x128xi32, #tpu.memory_space<hbm>> -> memref<1x80x128xi32, #tpu.memory_space<hbm>>
      %dma_wait3A_50 = tpu.memref_squeeze %dma_wait3A_49 : memref<1x80x128xi32, #tpu.memory_space<hbm>> -> memref<80x128xi32, #tpu.memory_space<hbm>>
      tpu.wait_dma2 semaphore(%run_scoped3A : memref<!tpu.dma_semaphore, #tpu.memory_space<semaphore_mem>>) src(%dma_wait3A_50 : memref<80x128xi32, #tpu.memory_space<hbm>>) dst(%arg7 : memref<80x128xi32, #tpu.memory_space<vmem>>)
      tpu.yield
    }) : () -> ()
    %dma_start3A = arith.constant 0 : i32
    %dma_start3A_3 = arith.constant 0 : i32
    %dma_start3A_4 = tpu.memref_slice %arg4[%add3A, %dma_start3A, %dma_start3A_3] : memref<32x80x128xi32, #tpu.memory_space<hbm>> -> memref<1x1x128xi32, #tpu.memory_space<hbm>>
    %dma_start3A_5 = tpu.memref_squeeze %dma_start3A_4 : memref<1x1x128xi32, #tpu.memory_space<hbm>> -> memref<128xi32, #tpu.memory_space<hbm>>
    %dma_start3A_6 = arith.constant 0 : i32
    %dma_start3A_7 = tpu.memref_slice %arg4[%add3A, %dma_start3A, %dma_start3A_6] : memref<32x80x128xi32, #tpu.memory_space<hbm>> -> memref<1x1x128xi32, #tpu.memory_space<hbm>>
    %dma_start3A_8 = tpu.memref_squeeze %dma_start3A_7 : memref<1x1x128xi32, #tpu.memory_space<hbm>> -> memref<128xi32, #tpu.memory_space<hbm>>
    tpu.enqueue_dma source(%dma_start3A_8 : memref<128xi32, #tpu.memory_space<hbm>>) target(%arg8 : memref<128xi32, #tpu.memory_space<vmem>>) target_semaphore(%arg15 : memref<!tpu.dma_semaphore, #tpu.memory_space<semaphore_mem>>)
    %dma_start3A_9 = arith.constant 1 : i32
    %dma_start3A_10 = arith.constant 0 : i32
    %dma_start3A_11 = tpu.memref_slice %arg4[%add3A, %dma_start3A_9, %dma_start3A_10] : memref<32x80x128xi32, #tpu.memory_space<hbm>> -> memref<1x1x128xi32, #tpu.memory_space<hbm>>
    %dma_start3A_12 = tpu.memref_squeeze %dma_start3A_11 : memref<1x1x128xi32, #tpu.memory_space<hbm>> -> memref<128xi32, #tpu.memory_space<hbm>>
    %dma_start3A_13 = arith.constant 0 : i32
    %dma_start3A_14 = tpu.memref_slice %arg4[%add3A, %dma_start3A_9, %dma_start3A_13] : memref<32x80x128xi32, #tpu.memory_space<hbm>> -> memref<1x1x128xi32, #tpu.memory_space<hbm>>
    %dma_start3A_15 = tpu.memref_squeeze %dma_start3A_14 : memref<1x1x128xi32, #tpu.memory_space<hbm>> -> memref<128xi32, #tpu.memory_space<hbm>>
    tpu.enqueue_dma source(%dma_start3A_15 : memref<128xi32, #tpu.memory_space<hbm>>) target(%arg9 : memref<128xi32, #tpu.memory_space<vmem>>) target_semaphore(%arg16 : memref<!tpu.dma_semaphore, #tpu.memory_space<semaphore_mem>>)
    %dma_start3A_16 = arith.constant 0 : i32
    %dma_start3A_17 = arith.constant 0 : i32
    %dma_start3A_18 = tpu.memref_slice %arg7[%dma_start3A_16, %dma_start3A_17] : memref<80x128xi32, #tpu.memory_space<vmem>> -> memref<1x128xi32, #tpu.memory_space<vmem>>
    %dma_start3A_19 = tpu.memref_squeeze %dma_start3A_18 : memref<1x128xi32, #tpu.memory_space<vmem>> -> memref<128xi32, #tpu.memory_space<vmem>>
    %dma_start3A_20 = arith.constant 0 : i32
    %dma_start3A_21 = arith.constant 0 : i32
    %dma_start3A_22 = tpu.memref_slice %arg2[%dma_start3A_20, %dma_start3A_21] : memref<10000x128xf32, #tpu.memory_space<hbm>> -> memref<10000x128xf32, #tpu.memory_space<hbm>>
    tpu.enqueue_indirect_dma source(%dma_start3A_22 : memref<10000x128xf32, #tpu.memory_space<hbm>>) target(%arg10 : memref<128x128xf32, #tpu.memory_space<vmem>>) offsets(%dma_start3A_19 : memref<128xi32, #tpu.memory_space<vmem>>) semaphore(%arg13 : memref<!tpu.dma_semaphore, #tpu.memory_space<semaphore_mem>>)
    %dma_start3A_23 = arith.constant 1 : i32
    %dma_start3A_24 = arith.constant 0 : i32
    %dma_start3A_25 = tpu.memref_slice %arg7[%dma_start3A_23, %dma_start3A_24] : memref<80x128xi32, #tpu.memory_space<vmem>> -> memref<1x128xi32, #tpu.memory_space<vmem>>
    %dma_start3A_26 = tpu.memref_squeeze %dma_start3A_25 : memref<1x128xi32, #tpu.memory_space<vmem>> -> memref<128xi32, #tpu.memory_space<vmem>>
    %dma_start3A_27 = arith.constant 0 : i32
    %dma_start3A_28 = arith.constant 0 : i32
    %dma_start3A_29 = tpu.memref_slice %arg2[%dma_start3A_27, %dma_start3A_28] : memref<10000x128xf32, #tpu.memory_space<hbm>> -> memref<10000x128xf32, #tpu.memory_space<hbm>>
    tpu.enqueue_indirect_dma source(%dma_start3A_29 : memref<10000x128xf32, #tpu.memory_space<hbm>>) target(%arg11 : memref<128x128xf32, #tpu.memory_space<vmem>>) offsets(%dma_start3A_26 : memref<128xi32, #tpu.memory_space<vmem>>) semaphore(%arg14 : memref<!tpu.dma_semaphore, #tpu.memory_space<semaphore_mem>>)
    "tpu.region"() ({
      %run_scoped3A = tpu.sem_alloc : memref<!tpu.dma_semaphore, #tpu.memory_space<semaphore_mem>>
      %dma_start3A_36 = arith.constant 0 : i32
      %dma_start3A_37 = tpu.memref_slice %arg12[%mul3A_2, %dma_start3A_36] : memref<10112x128xf32, #tpu.memory_space<vmem_shared>> -> memref<632x128xf32, #tpu.memory_space<vmem_shared>>
      %dma_start3A_38 = arith.constant 0 : i32
      %dma_start3A_39 = tpu.memref_slice %arg5[%mul3A_2, %dma_start3A_38] : memref<10112x128xf32, #tpu.memory_space<hbm>> -> memref<632x128xf32, #tpu.memory_space<hbm>>
      tpu.enqueue_dma source(%dma_start3A_39 : memref<632x128xf32, #tpu.memory_space<hbm>>) target(%dma_start3A_37 : memref<632x128xf32, #tpu.memory_space<vmem_shared>>) target_semaphore(%run_scoped3A : memref<!tpu.dma_semaphore, #tpu.memory_space<semaphore_mem>>)
      %dma_wait3A = arith.constant 0 : i32
      %dma_wait3A_40 = tpu.memref_slice %arg12[%mul3A_2, %dma_wait3A] : memref<10112x128xf32, #tpu.memory_space<vmem_shared>> -> memref<632x128xf32, #tpu.memory_space<vmem_shared>>
      %dma_wait3A_41 = arith.constant 0 : i32
      %dma_wait3A_42 = tpu.memref_slice %arg5[%mul3A_2, %dma_wait3A_41] : memref<10112x128xf32, #tpu.memory_space<hbm>> -> memref<632x128xf32, #tpu.memory_space<hbm>>
      tpu.wait_dma2 semaphore(%run_scoped3A : memref<!tpu.dma_semaphore, #tpu.memory_space<semaphore_mem>>) src(%dma_wait3A_42 : memref<632x128xf32, #tpu.memory_space<hbm>>) dst(%dma_wait3A_40 : memref<632x128xf32, #tpu.memory_space<vmem_shared>>)
      tpu.yield
    }) : () -> ()
    %barrier3A = arith.constant 0 : index
    tpu.barrier barrier_id(%barrier3A)
    %scan3A = arith.constant 0 : i32
    %scan3A_30 = arith.constant 0 : i32
    %scan3A_31 = arith.constant 40 : i32
    %scan3A_32 = arith.addi %scan3A_30, %scan3A_31 : i32
    %scan3A_33 = arith.constant 1 : i32
    scf.for %scan3A_36 = %scan3A_30 to %scan3A_32 step %scan3A_33  : i32 {
      %mul3A_37 = arith.constant 2 : i32
      %mul3A_38 = arith.muli %mul3A_37, %scan3A_36 : i32
      %dma_wait3A = arith.constant 0 : i32
      %dma_wait3A_39 = tpu.memref_slice %arg7[%mul3A_38, %dma_wait3A] : memref<80x128xi32, #tpu.memory_space<vmem>> -> memref<1x128xi32, #tpu.memory_space<vmem>>
      %dma_wait3A_40 = tpu.memref_squeeze %dma_wait3A_39 : memref<1x128xi32, #tpu.memory_space<vmem>> -> memref<128xi32, #tpu.memory_space<vmem>>
      %dma_wait3A_41 = arith.constant 0 : i32
      %dma_wait3A_42 = arith.constant 0 : i32
      %dma_wait3A_43 = tpu.memref_slice %arg2[%dma_wait3A_41, %dma_wait3A_42] : memref<10000x128xf32, #tpu.memory_space<hbm>> -> memref<10000x128xf32, #tpu.memory_space<hbm>>
      tpu.wait_indirect_dma semaphore(%arg13 : memref<!tpu.dma_semaphore, #tpu.memory_space<semaphore_mem>>) src(%dma_wait3A_43 : memref<10000x128xf32, #tpu.memory_space<hbm>>) dst(%arg10 : memref<128x128xf32, #tpu.memory_space<vmem>>)
      %dma_wait3A_44 = arith.constant 0 : i32
      %dma_wait3A_45 = tpu.memref_slice %arg4[%add3A, %mul3A_38, %dma_wait3A_44] : memref<32x80x128xi32, #tpu.memory_space<hbm>> -> memref<1x1x128xi32, #tpu.memory_space<hbm>>
      %dma_wait3A_46 = tpu.memref_squeeze %dma_wait3A_45 : memref<1x1x128xi32, #tpu.memory_space<hbm>> -> memref<128xi32, #tpu.memory_space<hbm>>
      %dma_wait3A_47 = arith.constant 0 : i32
      %dma_wait3A_48 = tpu.memref_slice %arg4[%add3A, %mul3A_38, %dma_wait3A_47] : memref<32x80x128xi32, #tpu.memory_space<hbm>> -> memref<1x1x128xi32, #tpu.memory_space<hbm>>
      %dma_wait3A_49 = tpu.memref_squeeze %dma_wait3A_48 : memref<1x1x128xi32, #tpu.memory_space<hbm>> -> memref<128xi32, #tpu.memory_space<hbm>>
      tpu.wait_dma2 semaphore(%arg15 : memref<!tpu.dma_semaphore, #tpu.memory_space<semaphore_mem>>) src(%dma_wait3A_49 : memref<128xi32, #tpu.memory_space<hbm>>) dst(%arg8 : memref<128xi32, #tpu.memory_space<vmem>>)
      "tpu.region"() ({
        %run_scoped3A = tpu.sem_alloc : memref<!tpu.dma_semaphore, #tpu.memory_space<semaphore_mem>>
        %dma_start3A_77 = arith.constant 0 : i32
        %dma_start3A_78 = arith.constant 0 : i32
        %dma_start3A_79 = tpu.memref_slice %arg12[%dma_start3A_77, %dma_start3A_78] : memref<10112x128xf32, #tpu.memory_space<vmem_shared>> -> memref<10112x128xf32, #tpu.memory_space<vmem_shared>>
        tpu.enqueue_indirect_dma source(%arg10 : memref<128x128xf32, #tpu.memory_space<vmem>>) target(%dma_start3A_79 : memref<10112x128xf32, #tpu.memory_space<vmem_shared>>) offsets(%arg8 : memref<128xi32, #tpu.memory_space<vmem>>) semaphore(%run_scoped3A : memref<!tpu.dma_semaphore, #tpu.memory_space<semaphore_mem>>) {add = true}
        %dma_wait3A_80 = arith.constant 0 : i32
        %dma_wait3A_81 = arith.constant 0 : i32
        %dma_wait3A_82 = tpu.memref_slice %arg12[%dma_wait3A_80, %dma_wait3A_81] : memref<10112x128xf32, #tpu.memory_space<vmem_shared>> -> memref<10112x128xf32, #tpu.memory_space<vmem_shared>>
        tpu.wait_indirect_dma semaphore(%run_scoped3A : memref<!tpu.dma_semaphore, #tpu.memory_space<semaphore_mem>>) src(%arg10 : memref<128x128xf32, #tpu.memory_space<vmem>>) dst(%dma_wait3A_82 : memref<10112x128xf32, #tpu.memory_space<vmem_shared>>)
        tpu.yield
      }) : () -> ()
      %add3A_50 = arith.constant 2 : i32
      %add3A_51 = arith.addi %mul3A_38, %add3A_50 : i32
      %lt3A = arith.constant 80 : i32
      %lt3A_52 = arith.cmpi slt, %add3A_51, %lt3A : i32
      %convert_element_type3A = arith.extui %lt3A_52 : i1 to i32
      %cond3A = arith.constant 0 : i32
      %cond3A_53 = arith.cmpi ne, %convert_element_type3A, %cond3A : i32
      scf.if %cond3A_53 {
        %add3A_77 = arith.constant 2 : i32
        %add3A_78 = arith.addi %mul3A_38, %add3A_77 : i32
        %dma_start3A_79 = arith.constant 0 : i32
        %dma_start3A_80 = tpu.memref_slice %arg4[%add3A, %add3A_78, %dma_start3A_79] : memref<32x80x128xi32, #tpu.memory_space<hbm>> -> memref<1x1x128xi32, #tpu.memory_space<hbm>>
        %dma_start3A_81 = tpu.memref_squeeze %dma_start3A_80 : memref<1x1x128xi32, #tpu.memory_space<hbm>> -> memref<128xi32, #tpu.memory_space<hbm>>
        %dma_start3A_82 = arith.constant 0 : i32
        %dma_start3A_83 = tpu.memref_slice %arg4[%add3A, %add3A_78, %dma_start3A_82] : memref<32x80x128xi32, #tpu.memory_space<hbm>> -> memref<1x1x128xi32, #tpu.memory_space<hbm>>
        %dma_start3A_84 = tpu.memref_squeeze %dma_start3A_83 : memref<1x1x128xi32, #tpu.memory_space<hbm>> -> memref<128xi32, #tpu.memory_space<hbm>>
        tpu.enqueue_dma source(%dma_start3A_84 : memref<128xi32, #tpu.memory_space<hbm>>) target(%arg8 : memref<128xi32, #tpu.memory_space<vmem>>) target_semaphore(%arg15 : memref<!tpu.dma_semaphore, #tpu.memory_space<semaphore_mem>>)
        %add3A_85 = arith.constant 2 : i32
        %add3A_86 = arith.addi %mul3A_38, %add3A_85 : i32
        %dma_start3A_87 = arith.constant 0 : i32
        %dma_start3A_88 = tpu.memref_slice %arg7[%add3A_86, %dma_start3A_87] : memref<80x128xi32, #tpu.memory_space<vmem>> -> memref<1x128xi32, #tpu.memory_space<vmem>>
        %dma_start3A_89 = tpu.memref_squeeze %dma_start3A_88 : memref<1x128xi32, #tpu.memory_space<vmem>> -> memref<128xi32, #tpu.memory_space<vmem>>
        %dma_start3A_90 = arith.constant 0 : i32
        %dma_start3A_91 = arith.constant 0 : i32
        %dma_start3A_92 = tpu.memref_slice %arg2[%dma_start3A_90, %dma_start3A_91] : memref<10000x128xf32, #tpu.memory_space<hbm>> -> memref<10000x128xf32, #tpu.memory_space<hbm>>
        tpu.enqueue_indirect_dma source(%dma_start3A_92 : memref<10000x128xf32, #tpu.memory_space<hbm>>) target(%arg10 : memref<128x128xf32, #tpu.memory_space<vmem>>) offsets(%dma_start3A_89 : memref<128xi32, #tpu.memory_space<vmem>>) semaphore(%arg13 : memref<!tpu.dma_semaphore, #tpu.memory_space<semaphore_mem>>)
      } else {
      }
      %mul3A_54 = arith.constant 2 : i32
      %mul3A_55 = arith.muli %mul3A_54, %scan3A_36 : i32
      %add3A_56 = arith.constant 1 : i32
      %add3A_57 = arith.addi %mul3A_55, %add3A_56 : i32
      %dma_wait3A_58 = arith.constant 0 : i32
      %dma_wait3A_59 = tpu.memref_slice %arg7[%add3A_57, %dma_wait3A_58] : memref<80x128xi32, #tpu.memory_space<vmem>> -> memref<1x128xi32, #tpu.memory_space<vmem>>
      %dma_wait3A_60 = tpu.memref_squeeze %dma_wait3A_59 : memref<1x128xi32, #tpu.memory_space<vmem>> -> memref<128xi32, #tpu.memory_space<vmem>>
      %dma_wait3A_61 = arith.constant 0 : i32
      %dma_wait3A_62 = arith.constant 0 : i32
      %dma_wait3A_63 = tpu.memref_slice %arg2[%dma_wait3A_61, %dma_wait3A_62] : memref<10000x128xf32, #tpu.memory_space<hbm>> -> memref<10000x128xf32, #tpu.memory_space<hbm>>
      tpu.wait_indirect_dma semaphore(%arg14 : memref<!tpu.dma_semaphore, #tpu.memory_space<semaphore_mem>>) src(%dma_wait3A_63 : memref<10000x128xf32, #tpu.memory_space<hbm>>) dst(%arg11 : memref<128x128xf32, #tpu.memory_space<vmem>>)
      %dma_wait3A_64 = arith.constant 0 : i32
      %dma_wait3A_65 = tpu.memref_slice %arg4[%add3A, %add3A_57, %dma_wait3A_64] : memref<32x80x128xi32, #tpu.memory_space<hbm>> -> memref<1x1x128xi32, #tpu.memory_space<hbm>>
      %dma_wait3A_66 = tpu.memref_squeeze %dma_wait3A_65 : memref<1x1x128xi32, #tpu.memory_space<hbm>> -> memref<128xi32, #tpu.memory_space<hbm>>
      %dma_wait3A_67 = arith.constant 0 : i32
      %dma_wait3A_68 = tpu.memref_slice %arg4[%add3A, %add3A_57, %dma_wait3A_67] : memref<32x80x128xi32, #tpu.memory_space<hbm>> -> memref<1x1x128xi32, #tpu.memory_space<hbm>>
      %dma_wait3A_69 = tpu.memref_squeeze %dma_wait3A_68 : memref<1x1x128xi32, #tpu.memory_space<hbm>> -> memref<128xi32, #tpu.memory_space<hbm>>
      tpu.wait_dma2 semaphore(%arg16 : memref<!tpu.dma_semaphore, #tpu.memory_space<semaphore_mem>>) src(%dma_wait3A_69 : memref<128xi32, #tpu.memory_space<hbm>>) dst(%arg9 : memref<128xi32, #tpu.memory_space<vmem>>)
      "tpu.region"() ({
        %run_scoped3A = tpu.sem_alloc : memref<!tpu.dma_semaphore, #tpu.memory_space<semaphore_mem>>
        %dma_start3A_77 = arith.constant 0 : i32
        %dma_start3A_78 = arith.constant 0 : i32
        %dma_start3A_79 = tpu.memref_slice %arg12[%dma_start3A_77, %dma_start3A_78] : memref<10112x128xf32, #tpu.memory_space<vmem_shared>> -> memref<10112x128xf32, #tpu.memory_space<vmem_shared>>
        tpu.enqueue_indirect_dma source(%arg11 : memref<128x128xf32, #tpu.memory_space<vmem>>) target(%dma_start3A_79 : memref<10112x128xf32, #tpu.memory_space<vmem_shared>>) offsets(%arg9 : memref<128xi32, #tpu.memory_space<vmem>>) semaphore(%run_scoped3A : memref<!tpu.dma_semaphore, #tpu.memory_space<semaphore_mem>>) {add = true}
        %dma_wait3A_80 = arith.constant 0 : i32
        %dma_wait3A_81 = arith.constant 0 : i32
        %dma_wait3A_82 = tpu.memref_slice %arg12[%dma_wait3A_80, %dma_wait3A_81] : memref<10112x128xf32, #tpu.memory_space<vmem_shared>> -> memref<10112x128xf32, #tpu.memory_space<vmem_shared>>
        tpu.wait_indirect_dma semaphore(%run_scoped3A : memref<!tpu.dma_semaphore, #tpu.memory_space<semaphore_mem>>) src(%arg11 : memref<128x128xf32, #tpu.memory_space<vmem>>) dst(%dma_wait3A_82 : memref<10112x128xf32, #tpu.memory_space<vmem_shared>>)
        tpu.yield
      }) : () -> ()
      %add3A_70 = arith.constant 2 : i32
      %add3A_71 = arith.addi %add3A_57, %add3A_70 : i32
      %lt3A_72 = arith.constant 80 : i32
      %lt3A_73 = arith.cmpi slt, %add3A_71, %lt3A_72 : i32
      %convert_element_type3A_74 = arith.extui %lt3A_73 : i1 to i32
      %cond3A_75 = arith.constant 0 : i32
      %cond3A_76 = arith.cmpi ne, %convert_element_type3A_74, %cond3A_75 : i32
      scf.if %cond3A_76 {
        %add3A_77 = arith.constant 2 : i32
        %add3A_78 = arith.addi %add3A_57, %add3A_77 : i32
        %dma_start3A_79 = arith.constant 0 : i32
        %dma_start3A_80 = tpu.memref_slice %arg4[%add3A, %add3A_78, %dma_start3A_79] : memref<32x80x128xi32, #tpu.memory_space<hbm>> -> memref<1x1x128xi32, #tpu.memory_space<hbm>>
        %dma_start3A_81 = tpu.memref_squeeze %dma_start3A_80 : memref<1x1x128xi32, #tpu.memory_space<hbm>> -> memref<128xi32, #tpu.memory_space<hbm>>
        %dma_start3A_82 = arith.constant 0 : i32
        %dma_start3A_83 = tpu.memref_slice %arg4[%add3A, %add3A_78, %dma_start3A_82] : memref<32x80x128xi32, #tpu.memory_space<hbm>> -> memref<1x1x128xi32, #tpu.memory_space<hbm>>
        %dma_start3A_84 = tpu.memref_squeeze %dma_start3A_83 : memref<1x1x128xi32, #tpu.memory_space<hbm>> -> memref<128xi32, #tpu.memory_space<hbm>>
        tpu.enqueue_dma source(%dma_start3A_84 : memref<128xi32, #tpu.memory_space<hbm>>) target(%arg9 : memref<128xi32, #tpu.memory_space<vmem>>) target_semaphore(%arg16 : memref<!tpu.dma_semaphore, #tpu.memory_space<semaphore_mem>>)
        %add3A_85 = arith.constant 2 : i32
        %add3A_86 = arith.addi %add3A_57, %add3A_85 : i32
        %dma_start3A_87 = arith.constant 0 : i32
        %dma_start3A_88 = tpu.memref_slice %arg7[%add3A_86, %dma_start3A_87] : memref<80x128xi32, #tpu.memory_space<vmem>> -> memref<1x128xi32, #tpu.memory_space<vmem>>
        %dma_start3A_89 = tpu.memref_squeeze %dma_start3A_88 : memref<1x128xi32, #tpu.memory_space<vmem>> -> memref<128xi32, #tpu.memory_space<vmem>>
        %dma_start3A_90 = arith.constant 0 : i32
        %dma_start3A_91 = arith.constant 0 : i32
        %dma_start3A_92 = tpu.memref_slice %arg2[%dma_start3A_90, %dma_start3A_91] : memref<10000x128xf32, #tpu.memory_space<hbm>> -> memref<10000x128xf32, #tpu.memory_space<hbm>>
        tpu.enqueue_indirect_dma source(%dma_start3A_92 : memref<10000x128xf32, #tpu.memory_space<hbm>>) target(%arg11 : memref<128x128xf32, #tpu.memory_space<vmem>>) offsets(%dma_start3A_89 : memref<128xi32, #tpu.memory_space<vmem>>) semaphore(%arg14 : memref<!tpu.dma_semaphore, #tpu.memory_space<semaphore_mem>>)
      } else {
      }
    }
    %scan3A_34 = arith.constant 40 : i32
    %barrier3A_35 = arith.constant 0 : index
    tpu.barrier barrier_id(%barrier3A_35)
    "tpu.region"() ({
      %run_scoped3A = tpu.sem_alloc : memref<!tpu.dma_semaphore, #tpu.memory_space<semaphore_mem>>
      %dma_start3A_36 = arith.constant 0 : i32
      %dma_start3A_37 = tpu.memref_slice %arg6[%arg0, %mul3A_2, %dma_start3A_36] : memref<2x10112x128xf32, #tpu.memory_space<hbm>> -> memref<1x632x128xf32, #tpu.memory_space<hbm>>
      %dma_start3A_38 = tpu.memref_squeeze %dma_start3A_37 : memref<1x632x128xf32, #tpu.memory_space<hbm>> -> memref<632x128xf32, #tpu.memory_space<hbm>>
      %dma_start3A_39 = arith.constant 0 : i32
      %dma_start3A_40 = tpu.memref_slice %arg12[%mul3A_2, %dma_start3A_39] : memref<10112x128xf32, #tpu.memory_space<vmem_shared>> -> memref<632x128xf32, #tpu.memory_space<vmem_shared>>
      tpu.enqueue_dma source(%dma_start3A_40 : memref<632x128xf32, #tpu.memory_space<vmem_shared>>) target(%dma_start3A_38 : memref<632x128xf32, #tpu.memory_space<hbm>>) target_semaphore(%run_scoped3A : memref<!tpu.dma_semaphore, #tpu.memory_space<semaphore_mem>>)
      %dma_wait3A = arith.constant 0 : i32
      %dma_wait3A_41 = tpu.memref_slice %arg6[%arg0, %mul3A_2, %dma_wait3A] : memref<2x10112x128xf32, #tpu.memory_space<hbm>> -> memref<1x632x128xf32, #tpu.memory_space<hbm>>
      %dma_wait3A_42 = tpu.memref_squeeze %dma_wait3A_41 : memref<1x632x128xf32, #tpu.memory_space<hbm>> -> memref<632x128xf32, #tpu.memory_space<hbm>>
      %dma_wait3A_43 = arith.constant 0 : i32
      %dma_wait3A_44 = tpu.memref_slice %arg12[%mul3A_2, %dma_wait3A_43] : memref<10112x128xf32, #tpu.memory_space<vmem_shared>> -> memref<632x128xf32, #tpu.memory_space<vmem_shared>>
      tpu.wait_dma2 semaphore(%run_scoped3A : memref<!tpu.dma_semaphore, #tpu.memory_space<semaphore_mem>>) src(%dma_wait3A_44 : memref<632x128xf32, #tpu.memory_space<vmem_shared>>) dst(%dma_wait3A_42 : memref<632x128xf32, #tpu.memory_space<hbm>>)
      tpu.yield
    }) : () -> ()
    return
  }
}

#map = affine_map<(d0, d1) -> (0, 0)>
#map1 = affine_map<(d0, d1) -> (0, 0, 0)>
module attributes {stable_mosaic.version = 14 : i64} {
  func.func @_sc_agg(%arg0: i32, %arg1: i32, %arg2: memref<10000x128xf32, #tpu.memory_space<hbm>>, %arg3: memref<32x80x128xi32, #tpu.memory_space<hbm>>, %arg4: memref<32x80x128xi32, #tpu.memory_space<hbm>>, %arg5: memref<10112x128xf32, #tpu.memory_space<hbm>>, %arg6: memref<2x10112x128xf32, #tpu.memory_space<hbm>>, %arg7: memref<80x128xi32, #tpu.memory_space<vmem>>, %arg8: memref<128xi32, #tpu.memory_space<vmem>>, %arg9: memref<128xi32, #tpu.memory_space<vmem>>, %arg10: memref<128x128xf32, #tpu.memory_space<vmem>>, %arg11: memref<128x128xf32, #tpu.memory_space<vmem>>, %arg12: memref<10112x128xf32, #tpu.memory_space<vmem_shared>>, %arg13: memref<!tpu.dma_semaphore, #tpu.memory_space<semaphore_mem>>, %arg14: memref<!tpu.dma_semaphore, #tpu.memory_space<semaphore_mem>>, %arg15: memref<!tpu.dma_semaphore, #tpu.memory_space<semaphore_mem>>, %arg16: memref<!tpu.dma_semaphore, #tpu.memory_space<semaphore_mem>>) attributes {dimension_semantics = [#tpu.dimension_semantics<core_parallel>, #tpu.dimension_semantics<subcore_parallel>], iteration_bounds = array<i64: 2, 16>, scalar_prefetch = 0 : i64, scratch_operands = 10 : i64, tpu.core_type = #tpu.core_type<sc_vector_subcore>, window_params = [{transform_indices = #map}, {transform_indices = #map1}, {transform_indices = #map1}, {transform_indices = #map}, {transform_indices = #map1}]} {
    %mul3A = arith.constant 2 : i32
    %mul3A_0 = arith.muli %arg1, %mul3A : i32
    %add3A = arith.addi %mul3A_0, %arg0 : i32
    %mul3A_1 = arith.constant 632 : i32
    %mul3A_2 = arith.muli %arg1, %mul3A_1 : i32
    "tpu.region"() ({
      %run_scoped3A = tpu.sem_alloc : memref<!tpu.dma_semaphore, #tpu.memory_space<semaphore_mem>>
      %dma_start3A_36 = arith.constant 0 : i32
      %dma_start3A_37 = arith.constant 0 : i32
      %dma_start3A_38 = tpu.memref_slice %arg3[%add3A, %dma_start3A_36, %dma_start3A_37] : memref<32x80x128xi32, #tpu.memory_space<hbm>> -> memref<1x80x128xi32, #tpu.memory_space<hbm>>
      %dma_start3A_39 = tpu.memref_squeeze %dma_start3A_38 : memref<1x80x128xi32, #tpu.memory_space<hbm>> -> memref<80x128xi32, #tpu.memory_space<hbm>>
      %dma_start3A_40 = arith.constant 0 : i32
      %dma_start3A_41 = arith.constant 0 : i32
      %dma_start3A_42 = tpu.memref_slice %arg3[%add3A, %dma_start3A_40, %dma_start3A_41] : memref<32x80x128xi32, #tpu.memory_space<hbm>> -> memref<1x80x128xi32, #tpu.memory_space<hbm>>
      %dma_start3A_43 = tpu.memref_squeeze %dma_start3A_42 : memref<1x80x128xi32, #tpu.memory_space<hbm>> -> memref<80x128xi32, #tpu.memory_space<hbm>>
      tpu.enqueue_dma source(%dma_start3A_43 : memref<80x128xi32, #tpu.memory_space<hbm>>) target(%arg7 : memref<80x128xi32, #tpu.memory_space<vmem>>) target_semaphore(%run_scoped3A : memref<!tpu.dma_semaphore, #tpu.memory_space<semaphore_mem>>)
      %dma_wait3A = arith.constant 0 : i32
      %dma_wait3A_44 = arith.constant 0 : i32
      %dma_wait3A_45 = tpu.memref_slice %arg3[%add3A, %dma_wait3A, %dma_wait3A_44] : memref<32x80x128xi32, #tpu.memory_space<hbm>> -> memref<1x80x128xi32, #tpu.memory_space<hbm>>
      %dma_wait3A_46 = tpu.memref_squeeze %dma_wait3A_45 : memref<1x80x128xi32, #tpu.memory_space<hbm>> -> memref<80x128xi32, #tpu.memory_space<hbm>>
      %dma_wait3A_47 = arith.constant 0 : i32
      %dma_wait3A_48 = arith.constant 0 : i32
      %dma_wait3A_49 = tpu.memref_slice %arg3[%add3A, %dma_wait3A_47, %dma_wait3A_48] : memref<32x80x128xi32, #tpu.memory_space<hbm>> -> memref<1x80x128xi32, #tpu.memory_space<hbm>>
      %dma_wait3A_50 = tpu.memref_squeeze %dma_wait3A_49 : memref<1x80x128xi32, #tpu.memory_space<hbm>> -> memref<80x128xi32, #tpu.memory_space<hbm>>
      tpu.wait_dma2 semaphore(%run_scoped3A : memref<!tpu.dma_semaphore, #tpu.memory_space<semaphore_mem>>) src(%dma_wait3A_50 : memref<80x128xi32, #tpu.memory_space<hbm>>) dst(%arg7 : memref<80x128xi32, #tpu.memory_space<vmem>>)
      tpu.yield
    }) : () -> ()
    %dma_start3A = arith.constant 0 : i32
    %dma_start3A_3 = arith.constant 0 : i32
    %dma_start3A_4 = tpu.memref_slice %arg4[%add3A, %dma_start3A, %dma_start3A_3] : memref<32x80x128xi32, #tpu.memory_space<hbm>> -> memref<1x1x128xi32, #tpu.memory_space<hbm>>
    %dma_start3A_5 = tpu.memref_squeeze %dma_start3A_4 : memref<1x1x128xi32, #tpu.memory_space<hbm>> -> memref<128xi32, #tpu.memory_space<hbm>>
    %dma_start3A_6 = arith.constant 0 : i32
    %dma_start3A_7 = tpu.memref_slice %arg4[%add3A, %dma_start3A, %dma_start3A_6] : memref<32x80x128xi32, #tpu.memory_space<hbm>> -> memref<1x1x128xi32, #tpu.memory_space<hbm>>
    %dma_start3A_8 = tpu.memref_squeeze %dma_start3A_7 : memref<1x1x128xi32, #tpu.memory_space<hbm>> -> memref<128xi32, #tpu.memory_space<hbm>>
    tpu.enqueue_dma source(%dma_start3A_8 : memref<128xi32, #tpu.memory_space<hbm>>) target(%arg8 : memref<128xi32, #tpu.memory_space<vmem>>) target_semaphore(%arg15 : memref<!tpu.dma_semaphore, #tpu.memory_space<semaphore_mem>>)
    %dma_start3A_9 = arith.constant 1 : i32
    %dma_start3A_10 = arith.constant 0 : i32
    %dma_start3A_11 = tpu.memref_slice %arg4[%add3A, %dma_start3A_9, %dma_start3A_10] : memref<32x80x128xi32, #tpu.memory_space<hbm>> -> memref<1x1x128xi32, #tpu.memory_space<hbm>>
    %dma_start3A_12 = tpu.memref_squeeze %dma_start3A_11 : memref<1x1x128xi32, #tpu.memory_space<hbm>> -> memref<128xi32, #tpu.memory_space<hbm>>
    %dma_start3A_13 = arith.constant 0 : i32
    %dma_start3A_14 = tpu.memref_slice %arg4[%add3A, %dma_start3A_9, %dma_start3A_13] : memref<32x80x128xi32, #tpu.memory_space<hbm>> -> memref<1x1x128xi32, #tpu.memory_space<hbm>>
    %dma_start3A_15 = tpu.memref_squeeze %dma_start3A_14 : memref<1x1x128xi32, #tpu.memory_space<hbm>> -> memref<128xi32, #tpu.memory_space<hbm>>
    tpu.enqueue_dma source(%dma_start3A_15 : memref<128xi32, #tpu.memory_space<hbm>>) target(%arg9 : memref<128xi32, #tpu.memory_space<vmem>>) target_semaphore(%arg16 : memref<!tpu.dma_semaphore, #tpu.memory_space<semaphore_mem>>)
    %dma_start3A_16 = arith.constant 0 : i32
    %dma_start3A_17 = arith.constant 0 : i32
    %dma_start3A_18 = tpu.memref_slice %arg7[%dma_start3A_16, %dma_start3A_17] : memref<80x128xi32, #tpu.memory_space<vmem>> -> memref<1x128xi32, #tpu.memory_space<vmem>>
    %dma_start3A_19 = tpu.memref_squeeze %dma_start3A_18 : memref<1x128xi32, #tpu.memory_space<vmem>> -> memref<128xi32, #tpu.memory_space<vmem>>
    %dma_start3A_20 = arith.constant 0 : i32
    %dma_start3A_21 = arith.constant 0 : i32
    %dma_start3A_22 = tpu.memref_slice %arg2[%dma_start3A_20, %dma_start3A_21] : memref<10000x128xf32, #tpu.memory_space<hbm>> -> memref<10000x128xf32, #tpu.memory_space<hbm>>
    tpu.enqueue_indirect_dma source(%dma_start3A_22 : memref<10000x128xf32, #tpu.memory_space<hbm>>) target(%arg10 : memref<128x128xf32, #tpu.memory_space<vmem>>) offsets(%dma_start3A_19 : memref<128xi32, #tpu.memory_space<vmem>>) semaphore(%arg13 : memref<!tpu.dma_semaphore, #tpu.memory_space<semaphore_mem>>)
    %dma_start3A_23 = arith.constant 1 : i32
    %dma_start3A_24 = arith.constant 0 : i32
    %dma_start3A_25 = tpu.memref_slice %arg7[%dma_start3A_23, %dma_start3A_24] : memref<80x128xi32, #tpu.memory_space<vmem>> -> memref<1x128xi32, #tpu.memory_space<vmem>>
    %dma_start3A_26 = tpu.memref_squeeze %dma_start3A_25 : memref<1x128xi32, #tpu.memory_space<vmem>> -> memref<128xi32, #tpu.memory_space<vmem>>
    %dma_start3A_27 = arith.constant 0 : i32
    %dma_start3A_28 = arith.constant 0 : i32
    %dma_start3A_29 = tpu.memref_slice %arg2[%dma_start3A_27, %dma_start3A_28] : memref<10000x128xf32, #tpu.memory_space<hbm>> -> memref<10000x128xf32, #tpu.memory_space<hbm>>
    tpu.enqueue_indirect_dma source(%dma_start3A_29 : memref<10000x128xf32, #tpu.memory_space<hbm>>) target(%arg11 : memref<128x128xf32, #tpu.memory_space<vmem>>) offsets(%dma_start3A_26 : memref<128xi32, #tpu.memory_space<vmem>>) semaphore(%arg14 : memref<!tpu.dma_semaphore, #tpu.memory_space<semaphore_mem>>)
    "tpu.region"() ({
      %run_scoped3A = tpu.sem_alloc : memref<!tpu.dma_semaphore, #tpu.memory_space<semaphore_mem>>
      %dma_start3A_36 = arith.constant 0 : i32
      %dma_start3A_37 = tpu.memref_slice %arg12[%mul3A_2, %dma_start3A_36] : memref<10112x128xf32, #tpu.memory_space<vmem_shared>> -> memref<632x128xf32, #tpu.memory_space<vmem_shared>>
      %dma_start3A_38 = arith.constant 0 : i32
      %dma_start3A_39 = tpu.memref_slice %arg5[%mul3A_2, %dma_start3A_38] : memref<10112x128xf32, #tpu.memory_space<hbm>> -> memref<632x128xf32, #tpu.memory_space<hbm>>
      tpu.enqueue_dma source(%dma_start3A_39 : memref<632x128xf32, #tpu.memory_space<hbm>>) target(%dma_start3A_37 : memref<632x128xf32, #tpu.memory_space<vmem_shared>>) target_semaphore(%run_scoped3A : memref<!tpu.dma_semaphore, #tpu.memory_space<semaphore_mem>>)
      %dma_wait3A = arith.constant 0 : i32
      %dma_wait3A_40 = tpu.memref_slice %arg12[%mul3A_2, %dma_wait3A] : memref<10112x128xf32, #tpu.memory_space<vmem_shared>> -> memref<632x128xf32, #tpu.memory_space<vmem_shared>>
      %dma_wait3A_41 = arith.constant 0 : i32
      %dma_wait3A_42 = tpu.memref_slice %arg5[%mul3A_2, %dma_wait3A_41] : memref<10112x128xf32, #tpu.memory_space<hbm>> -> memref<632x128xf32, #tpu.memory_space<hbm>>
      tpu.wait_dma2 semaphore(%run_scoped3A : memref<!tpu.dma_semaphore, #tpu.memory_space<semaphore_mem>>) src(%dma_wait3A_42 : memref<632x128xf32, #tpu.memory_space<hbm>>) dst(%dma_wait3A_40 : memref<632x128xf32, #tpu.memory_space<vmem_shared>>)
      tpu.yield
    }) : () -> ()
    %barrier3A = arith.constant 0 : index
    tpu.barrier barrier_id(%barrier3A)
    %scan3A = arith.constant 0 : i32
    %scan3A_30 = arith.constant 0 : i32
    %scan3A_31 = arith.constant 40 : i32
    %scan3A_32 = arith.addi %scan3A_30, %scan3A_31 : i32
    %scan3A_33 = arith.constant 1 : i32
    scf.for %scan3A_36 = %scan3A_30 to %scan3A_32 step %scan3A_33  : i32 {
      %mul3A_37 = arith.constant 2 : i32
      %mul3A_38 = arith.muli %mul3A_37, %scan3A_36 : i32
      %dma_wait3A = arith.constant 0 : i32
      %dma_wait3A_39 = tpu.memref_slice %arg7[%mul3A_38, %dma_wait3A] : memref<80x128xi32, #tpu.memory_space<vmem>> -> memref<1x128xi32, #tpu.memory_space<vmem>>
      %dma_wait3A_40 = tpu.memref_squeeze %dma_wait3A_39 : memref<1x128xi32, #tpu.memory_space<vmem>> -> memref<128xi32, #tpu.memory_space<vmem>>
      %dma_wait3A_41 = arith.constant 0 : i32
      %dma_wait3A_42 = arith.constant 0 : i32
      %dma_wait3A_43 = tpu.memref_slice %arg2[%dma_wait3A_41, %dma_wait3A_42] : memref<10000x128xf32, #tpu.memory_space<hbm>> -> memref<10000x128xf32, #tpu.memory_space<hbm>>
      tpu.wait_indirect_dma semaphore(%arg13 : memref<!tpu.dma_semaphore, #tpu.memory_space<semaphore_mem>>) src(%dma_wait3A_43 : memref<10000x128xf32, #tpu.memory_space<hbm>>) dst(%arg10 : memref<128x128xf32, #tpu.memory_space<vmem>>)
      %dma_wait3A_44 = arith.constant 0 : i32
      %dma_wait3A_45 = tpu.memref_slice %arg4[%add3A, %mul3A_38, %dma_wait3A_44] : memref<32x80x128xi32, #tpu.memory_space<hbm>> -> memref<1x1x128xi32, #tpu.memory_space<hbm>>
      %dma_wait3A_46 = tpu.memref_squeeze %dma_wait3A_45 : memref<1x1x128xi32, #tpu.memory_space<hbm>> -> memref<128xi32, #tpu.memory_space<hbm>>
      %dma_wait3A_47 = arith.constant 0 : i32
      %dma_wait3A_48 = tpu.memref_slice %arg4[%add3A, %mul3A_38, %dma_wait3A_47] : memref<32x80x128xi32, #tpu.memory_space<hbm>> -> memref<1x1x128xi32, #tpu.memory_space<hbm>>
      %dma_wait3A_49 = tpu.memref_squeeze %dma_wait3A_48 : memref<1x1x128xi32, #tpu.memory_space<hbm>> -> memref<128xi32, #tpu.memory_space<hbm>>
      tpu.wait_dma2 semaphore(%arg15 : memref<!tpu.dma_semaphore, #tpu.memory_space<semaphore_mem>>) src(%dma_wait3A_49 : memref<128xi32, #tpu.memory_space<hbm>>) dst(%arg8 : memref<128xi32, #tpu.memory_space<vmem>>)
      "tpu.region"() ({
        %run_scoped3A = tpu.sem_alloc : memref<!tpu.dma_semaphore, #tpu.memory_space<semaphore_mem>>
        %dma_start3A_77 = arith.constant 0 : i32
        %dma_start3A_78 = arith.constant 0 : i32
        %dma_start3A_79 = tpu.memref_slice %arg12[%dma_start3A_77, %dma_start3A_78] : memref<10112x128xf32, #tpu.memory_space<vmem_shared>> -> memref<10112x128xf32, #tpu.memory_space<vmem_shared>>
        tpu.enqueue_indirect_dma source(%arg10 : memref<128x128xf32, #tpu.memory_space<vmem>>) target(%dma_start3A_79 : memref<10112x128xf32, #tpu.memory_space<vmem_shared>>) offsets(%arg8 : memref<128xi32, #tpu.memory_space<vmem>>) semaphore(%run_scoped3A : memref<!tpu.dma_semaphore, #tpu.memory_space<semaphore_mem>>) {add = true}
        %dma_wait3A_80 = arith.constant 0 : i32
        %dma_wait3A_81 = arith.constant 0 : i32
        %dma_wait3A_82 = tpu.memref_slice %arg12[%dma_wait3A_80, %dma_wait3A_81] : memref<10112x128xf32, #tpu.memory_space<vmem_shared>> -> memref<10112x128xf32, #tpu.memory_space<vmem_shared>>
        tpu.wait_indirect_dma semaphore(%run_scoped3A : memref<!tpu.dma_semaphore, #tpu.memory_space<semaphore_mem>>) src(%arg10 : memref<128x128xf32, #tpu.memory_space<vmem>>) dst(%dma_wait3A_82 : memref<10112x128xf32, #tpu.memory_space<vmem_shared>>)
        tpu.yield
      }) : () -> ()
      %add3A_50 = arith.constant 2 : i32
      %add3A_51 = arith.addi %mul3A_38, %add3A_50 : i32
      %lt3A = arith.constant 80 : i32
      %lt3A_52 = arith.cmpi slt, %add3A_51, %lt3A : i32
      %convert_element_type3A = arith.extui %lt3A_52 : i1 to i32
      %cond3A = arith.constant 0 : i32
      %cond3A_53 = arith.cmpi ne, %convert_element_type3A, %cond3A : i32
      scf.if %cond3A_53 {
        %add3A_77 = arith.constant 2 : i32
        %add3A_78 = arith.addi %mul3A_38, %add3A_77 : i32
        %dma_start3A_79 = arith.constant 0 : i32
        %dma_start3A_80 = tpu.memref_slice %arg4[%add3A, %add3A_78, %dma_start3A_79] : memref<32x80x128xi32, #tpu.memory_space<hbm>> -> memref<1x1x128xi32, #tpu.memory_space<hbm>>
        %dma_start3A_81 = tpu.memref_squeeze %dma_start3A_80 : memref<1x1x128xi32, #tpu.memory_space<hbm>> -> memref<128xi32, #tpu.memory_space<hbm>>
        %dma_start3A_82 = arith.constant 0 : i32
        %dma_start3A_83 = tpu.memref_slice %arg4[%add3A, %add3A_78, %dma_start3A_82] : memref<32x80x128xi32, #tpu.memory_space<hbm>> -> memref<1x1x128xi32, #tpu.memory_space<hbm>>
        %dma_start3A_84 = tpu.memref_squeeze %dma_start3A_83 : memref<1x1x128xi32, #tpu.memory_space<hbm>> -> memref<128xi32, #tpu.memory_space<hbm>>
        tpu.enqueue_dma source(%dma_start3A_84 : memref<128xi32, #tpu.memory_space<hbm>>) target(%arg8 : memref<128xi32, #tpu.memory_space<vmem>>) target_semaphore(%arg15 : memref<!tpu.dma_semaphore, #tpu.memory_space<semaphore_mem>>)
        %add3A_85 = arith.constant 2 : i32
        %add3A_86 = arith.addi %mul3A_38, %add3A_85 : i32
        %dma_start3A_87 = arith.constant 0 : i32
        %dma_start3A_88 = tpu.memref_slice %arg7[%add3A_86, %dma_start3A_87] : memref<80x128xi32, #tpu.memory_space<vmem>> -> memref<1x128xi32, #tpu.memory_space<vmem>>
        %dma_start3A_89 = tpu.memref_squeeze %dma_start3A_88 : memref<1x128xi32, #tpu.memory_space<vmem>> -> memref<128xi32, #tpu.memory_space<vmem>>
        %dma_start3A_90 = arith.constant 0 : i32
        %dma_start3A_91 = arith.constant 0 : i32
        %dma_start3A_92 = tpu.memref_slice %arg2[%dma_start3A_90, %dma_start3A_91] : memref<10000x128xf32, #tpu.memory_space<hbm>> -> memref<10000x128xf32, #tpu.memory_space<hbm>>
        tpu.enqueue_indirect_dma source(%dma_start3A_92 : memref<10000x128xf32, #tpu.memory_space<hbm>>) target(%arg10 : memref<128x128xf32, #tpu.memory_space<vmem>>) offsets(%dma_start3A_89 : memref<128xi32, #tpu.memory_space<vmem>>) semaphore(%arg13 : memref<!tpu.dma_semaphore, #tpu.memory_space<semaphore_mem>>)
      } else {
      }
      %mul3A_54 = arith.constant 2 : i32
      %mul3A_55 = arith.muli %mul3A_54, %scan3A_36 : i32
      %add3A_56 = arith.constant 1 : i32
      %add3A_57 = arith.addi %mul3A_55, %add3A_56 : i32
      %dma_wait3A_58 = arith.constant 0 : i32
      %dma_wait3A_59 = tpu.memref_slice %arg7[%add3A_57, %dma_wait3A_58] : memref<80x128xi32, #tpu.memory_space<vmem>> -> memref<1x128xi32, #tpu.memory_space<vmem>>
      %dma_wait3A_60 = tpu.memref_squeeze %dma_wait3A_59 : memref<1x128xi32, #tpu.memory_space<vmem>> -> memref<128xi32, #tpu.memory_space<vmem>>
      %dma_wait3A_61 = arith.constant 0 : i32
      %dma_wait3A_62 = arith.constant 0 : i32
      %dma_wait3A_63 = tpu.memref_slice %arg2[%dma_wait3A_61, %dma_wait3A_62] : memref<10000x128xf32, #tpu.memory_space<hbm>> -> memref<10000x128xf32, #tpu.memory_space<hbm>>
      tpu.wait_indirect_dma semaphore(%arg14 : memref<!tpu.dma_semaphore, #tpu.memory_space<semaphore_mem>>) src(%dma_wait3A_63 : memref<10000x128xf32, #tpu.memory_space<hbm>>) dst(%arg11 : memref<128x128xf32, #tpu.memory_space<vmem>>)
      %dma_wait3A_64 = arith.constant 0 : i32
      %dma_wait3A_65 = tpu.memref_slice %arg4[%add3A, %add3A_57, %dma_wait3A_64] : memref<32x80x128xi32, #tpu.memory_space<hbm>> -> memref<1x1x128xi32, #tpu.memory_space<hbm>>
      %dma_wait3A_66 = tpu.memref_squeeze %dma_wait3A_65 : memref<1x1x128xi32, #tpu.memory_space<hbm>> -> memref<128xi32, #tpu.memory_space<hbm>>
      %dma_wait3A_67 = arith.constant 0 : i32
      %dma_wait3A_68 = tpu.memref_slice %arg4[%add3A, %add3A_57, %dma_wait3A_67] : memref<32x80x128xi32, #tpu.memory_space<hbm>> -> memref<1x1x128xi32, #tpu.memory_space<hbm>>
      %dma_wait3A_69 = tpu.memref_squeeze %dma_wait3A_68 : memref<1x1x128xi32, #tpu.memory_space<hbm>> -> memref<128xi32, #tpu.memory_space<hbm>>
      tpu.wait_dma2 semaphore(%arg16 : memref<!tpu.dma_semaphore, #tpu.memory_space<semaphore_mem>>) src(%dma_wait3A_69 : memref<128xi32, #tpu.memory_space<hbm>>) dst(%arg9 : memref<128xi32, #tpu.memory_space<vmem>>)
      "tpu.region"() ({
        %run_scoped3A = tpu.sem_alloc : memref<!tpu.dma_semaphore, #tpu.memory_space<semaphore_mem>>
        %dma_start3A_77 = arith.constant 0 : i32
        %dma_start3A_78 = arith.constant 0 : i32
        %dma_start3A_79 = tpu.memref_slice %arg12[%dma_start3A_77, %dma_start3A_78] : memref<10112x128xf32, #tpu.memory_space<vmem_shared>> -> memref<10112x128xf32, #tpu.memory_space<vmem_shared>>
        tpu.enqueue_indirect_dma source(%arg11 : memref<128x128xf32, #tpu.memory_space<vmem>>) target(%dma_start3A_79 : memref<10112x128xf32, #tpu.memory_space<vmem_shared>>) offsets(%arg9 : memref<128xi32, #tpu.memory_space<vmem>>) semaphore(%run_scoped3A : memref<!tpu.dma_semaphore, #tpu.memory_space<semaphore_mem>>) {add = true}
        %dma_wait3A_80 = arith.constant 0 : i32
        %dma_wait3A_81 = arith.constant 0 : i32
        %dma_wait3A_82 = tpu.memref_slice %arg12[%dma_wait3A_80, %dma_wait3A_81] : memref<10112x128xf32, #tpu.memory_space<vmem_shared>> -> memref<10112x128xf32, #tpu.memory_space<vmem_shared>>
        tpu.wait_indirect_dma semaphore(%run_scoped3A : memref<!tpu.dma_semaphore, #tpu.memory_space<semaphore_mem>>) src(%arg11 : memref<128x128xf32, #tpu.memory_space<vmem>>) dst(%dma_wait3A_82 : memref<10112x128xf32, #tpu.memory_space<vmem_shared>>)
        tpu.yield
      }) : () -> ()
      %add3A_70 = arith.constant 2 : i32
      %add3A_71 = arith.addi %add3A_57, %add3A_70 : i32
      %lt3A_72 = arith.constant 80 : i32
      %lt3A_73 = arith.cmpi slt, %add3A_71, %lt3A_72 : i32
      %convert_element_type3A_74 = arith.extui %lt3A_73 : i1 to i32
      %cond3A_75 = arith.constant 0 : i32
      %cond3A_76 = arith.cmpi ne, %convert_element_type3A_74, %cond3A_75 : i32
      scf.if %cond3A_76 {
        %add3A_77 = arith.constant 2 : i32
        %add3A_78 = arith.addi %add3A_57, %add3A_77 : i32
        %dma_start3A_79 = arith.constant 0 : i32
        %dma_start3A_80 = tpu.memref_slice %arg4[%add3A, %add3A_78, %dma_start3A_79] : memref<32x80x128xi32, #tpu.memory_space<hbm>> -> memref<1x1x128xi32, #tpu.memory_space<hbm>>
        %dma_start3A_81 = tpu.memref_squeeze %dma_start3A_80 : memref<1x1x128xi32, #tpu.memory_space<hbm>> -> memref<128xi32, #tpu.memory_space<hbm>>
        %dma_start3A_82 = arith.constant 0 : i32
        %dma_start3A_83 = tpu.memref_slice %arg4[%add3A, %add3A_78, %dma_start3A_82] : memref<32x80x128xi32, #tpu.memory_space<hbm>> -> memref<1x1x128xi32, #tpu.memory_space<hbm>>
        %dma_start3A_84 = tpu.memref_squeeze %dma_start3A_83 : memref<1x1x128xi32, #tpu.memory_space<hbm>> -> memref<128xi32, #tpu.memory_space<hbm>>
        tpu.enqueue_dma source(%dma_start3A_84 : memref<128xi32, #tpu.memory_space<hbm>>) target(%arg9 : memref<128xi32, #tpu.memory_space<vmem>>) target_semaphore(%arg16 : memref<!tpu.dma_semaphore, #tpu.memory_space<semaphore_mem>>)
        %add3A_85 = arith.constant 2 : i32
        %add3A_86 = arith.addi %add3A_57, %add3A_85 : i32
        %dma_start3A_87 = arith.constant 0 : i32
        %dma_start3A_88 = tpu.memref_slice %arg7[%add3A_86, %dma_start3A_87] : memref<80x128xi32, #tpu.memory_space<vmem>> -> memref<1x128xi32, #tpu.memory_space<vmem>>
        %dma_start3A_89 = tpu.memref_squeeze %dma_start3A_88 : memref<1x128xi32, #tpu.memory_space<vmem>> -> memref<128xi32, #tpu.memory_space<vmem>>
        %dma_start3A_90 = arith.constant 0 : i32
        %dma_start3A_91 = arith.constant 0 : i32
        %dma_start3A_92 = tpu.memref_slice %arg2[%dma_start3A_90, %dma_start3A_91] : memref<10000x128xf32, #tpu.memory_space<hbm>> -> memref<10000x128xf32, #tpu.memory_space<hbm>>
        tpu.enqueue_indirect_dma source(%dma_start3A_92 : memref<10000x128xf32, #tpu.memory_space<hbm>>) target(%arg11 : memref<128x128xf32, #tpu.memory_space<vmem>>) offsets(%dma_start3A_89 : memref<128xi32, #tpu.memory_space<vmem>>) semaphore(%arg14 : memref<!tpu.dma_semaphore, #tpu.memory_space<semaphore_mem>>)
      } else {
      }
    }
    %scan3A_34 = arith.constant 40 : i32
    %barrier3A_35 = arith.constant 0 : index
    tpu.barrier barrier_id(%barrier3A_35)
    "tpu.region"() ({
      %run_scoped3A = tpu.sem_alloc : memref<!tpu.dma_semaphore, #tpu.memory_space<semaphore_mem>>
      %dma_start3A_36 = arith.constant 0 : i32
      %dma_start3A_37 = tpu.memref_slice %arg6[%arg0, %mul3A_2, %dma_start3A_36] : memref<2x10112x128xf32, #tpu.memory_space<hbm>> -> memref<1x632x128xf32, #tpu.memory_space<hbm>>
      %dma_start3A_38 = tpu.memref_squeeze %dma_start3A_37 : memref<1x632x128xf32, #tpu.memory_space<hbm>> -> memref<632x128xf32, #tpu.memory_space<hbm>>
      %dma_start3A_39 = arith.constant 0 : i32
      %dma_start3A_40 = tpu.memref_slice %arg12[%mul3A_2, %dma_start3A_39] : memref<10112x128xf32, #tpu.memory_space<vmem_shared>> -> memref<632x128xf32, #tpu.memory_space<vmem_shared>>
      tpu.enqueue_dma source(%dma_start3A_40 : memref<632x128xf32, #tpu.memory_space<vmem_shared>>) target(%dma_start3A_38 : memref<632x128xf32, #tpu.memory_space<hbm>>) target_semaphore(%run_scoped3A : memref<!tpu.dma_semaphore, #tpu.memory_space<semaphore_mem>>)
      %dma_wait3A = arith.constant 0 : i32
      %dma_wait3A_41 = tpu.memref_slice %arg6[%arg0, %mul3A_2, %dma_wait3A] : memref<2x10112x128xf32, #tpu.memory_space<hbm>> -> memref<1x632x128xf32, #tpu.memory_space<hbm>>
      %dma_wait3A_42 = tpu.memref_squeeze %dma_wait3A_41 : memref<1x632x128xf32, #tpu.memory_space<hbm>> -> memref<632x128xf32, #tpu.memory_space<hbm>>
      %dma_wait3A_43 = arith.constant 0 : i32
      %dma_wait3A_44 = tpu.memref_slice %arg12[%mul3A_2, %dma_wait3A_43] : memref<10112x128xf32, #tpu.memory_space<vmem_shared>> -> memref<632x128xf32, #tpu.memory_space<vmem_shared>>
      tpu.wait_dma2 semaphore(%run_scoped3A : memref<!tpu.dma_semaphore, #tpu.memory_space<semaphore_mem>>) src(%dma_wait3A_44 : memref<632x128xf32, #tpu.memory_space<vmem_shared>>) dst(%dma_wait3A_42 : memref<632x128xf32, #tpu.memory_space<hbm>>)
      tpu.yield
    }) : () -> ()
    return
  }
}

module attributes {stable_mosaic.version = 14 : i64} {
  func.func @_mlp_body(%arg0: memref<10000x128xf32, #tpu.memory_space<vmem>>, %arg1: memref<2x10112x128xf32, #tpu.memory_space<vmem>>, %arg2: memref<128x128xf32, #tpu.memory_space<vmem>>, %arg3: memref<1x128xf32, #tpu.memory_space<vmem>>, %arg4: memref<1x128xf32, #tpu.memory_space<vmem>>, %arg5: memref<1x128xf32, #tpu.memory_space<vmem>>, %arg6: memref<128x128xf32, #tpu.memory_space<vmem>>, %arg7: memref<1x128xf32, #tpu.memory_space<vmem>>, %arg8: memref<10000x128xf32, #tpu.memory_space<vmem>>) attributes {dimension_semantics = [], scalar_prefetch = 0 : i64, scratch_operands = 0 : i64, tpu.core_type = #tpu.core_type<tc>} {
    %get3A = arith.constant 0 : index
    %get3A_0 = arith.constant 0 : index
    %get3A_1 = vector.load %arg0[%get3A, %get3A_0] : memref<10000x128xf32, #tpu.memory_space<vmem>>, vector<10000x128xf32>
    %get3A_2 = arith.constant 0 : index
    %get3A_3 = arith.constant 0 : index
    %get3A_4 = arith.constant 0 : index
    %get3A_5 = vector.load %arg1[%get3A_2, %get3A_3, %get3A_4] : memref<2x10112x128xf32, #tpu.memory_space<vmem>>, vector<1x10000x128xf32>
    %get3A_6 = vector.shape_cast %get3A_5 : vector<1x10000x128xf32> to vector<10000x128xf32>
    %add3A = arith.addf %get3A_1, %get3A_6 : vector<10000x128xf32>
    %get3A_7 = arith.constant 1 : index
    %get3A_8 = arith.constant 0 : index
    %get3A_9 = arith.constant 0 : index
    %get3A_10 = vector.load %arg1[%get3A_7, %get3A_8, %get3A_9] : memref<2x10112x128xf32, #tpu.memory_space<vmem>>, vector<1x10000x128xf32>
    %get3A_11 = vector.shape_cast %get3A_10 : vector<1x10000x128xf32> to vector<10000x128xf32>
    %add3A_12 = arith.addf %add3A, %get3A_11 : vector<10000x128xf32>
    %get3A_13 = arith.constant 0 : index
    %get3A_14 = arith.constant 0 : index
    %get3A_15 = vector.load %arg2[%get3A_13, %get3A_14] : memref<128x128xf32, #tpu.memory_space<vmem>>, vector<128x128xf32>
    %dot_general3A = arith.constant dense<0.000000e+00> : vector<10000x128xf32>
    %dot_general3A_16 = tpu.matmul %add3A_12, %get3A_15, %dot_general3A {dimension_numbers = #tpu.dot_dimension_numbers<[1], [0], [0], [1], [0, 0, 1, 1], [], []>, transpose_lhs_hint = false} : vector<10000x128xf32>, vector<128x128xf32>, vector<10000x128xf32> -> vector<10000x128xf32>
    %get3A_17 = arith.constant 0 : index
    %get3A_18 = arith.constant 0 : index
    %get3A_19 = vector.load %arg3[%get3A_17, %get3A_18] : memref<1x128xf32, #tpu.memory_space<vmem>>, vector<1x128xf32>
    %add3A_20 = vector.broadcast %get3A_19 : vector<1x128xf32> to vector<10000x128xf32>
    %add3A_21 = arith.addf %dot_general3A_16, %add3A_20 : vector<10000x128xf32>
    %reduce_sum3A = arith.constant dense<0.000000e+00> : vector<128xf32>
    %reduce_sum3A_22 = vector.multi_reduction <add>, %add3A_21, %reduce_sum3A [0] : vector<10000x128xf32> to vector<128xf32>
    %broadcast_in_dim3A = vector.shape_cast %reduce_sum3A_22 : vector<128xf32> to vector<1x128xf32>
    %div3A = arith.constant 1.000000e+04 : f32
    %div3A_23 = vector.broadcast %div3A : f32 to vector<1x128xf32>
    %div3A_24 = arith.divf %broadcast_in_dim3A, %div3A_23 : vector<1x128xf32>
    %sub3A = vector.broadcast %div3A_24 : vector<1x128xf32> to vector<10000x128xf32>
    %sub3A_25 = arith.subf %add3A_21, %sub3A : vector<10000x128xf32>
    %sub3A_26 = vector.broadcast %div3A_24 : vector<1x128xf32> to vector<10000x128xf32>
    %sub3A_27 = arith.subf %add3A_21, %sub3A_26 : vector<10000x128xf32>
    %mul3A = arith.mulf %sub3A_25, %sub3A_27 : vector<10000x128xf32>
    %reduce_sum3A_28 = arith.constant dense<0.000000e+00> : vector<128xf32>
    %reduce_sum3A_29 = vector.multi_reduction <add>, %mul3A, %reduce_sum3A_28 [0] : vector<10000x128xf32> to vector<128xf32>
    %broadcast_in_dim3A_30 = vector.shape_cast %reduce_sum3A_29 : vector<128xf32> to vector<1x128xf32>
    %div3A_31 = arith.constant 1.000000e+04 : f32
    %div3A_32 = vector.broadcast %div3A_31 : f32 to vector<1x128xf32>
    %div3A_33 = arith.divf %broadcast_in_dim3A_30, %div3A_32 : vector<1x128xf32>
    %sub3A_34 = vector.broadcast %div3A_24 : vector<1x128xf32> to vector<10000x128xf32>
    %sub3A_35 = arith.subf %add3A_21, %sub3A_34 : vector<10000x128xf32>
    %add3A_36 = arith.constant 9.99999974E-6 : f32
    %add3A_37 = vector.broadcast %add3A_36 : f32 to vector<1x128xf32>
    %add3A_38 = arith.addf %div3A_33, %add3A_37 : vector<1x128xf32>
    %rsqrt3A = math.rsqrt %add3A_38 : vector<1x128xf32>
    %mul3A_39 = vector.broadcast %rsqrt3A : vector<1x128xf32> to vector<10000x128xf32>
    %mul3A_40 = arith.mulf %sub3A_35, %mul3A_39 : vector<10000x128xf32>
    %get3A_41 = arith.constant 0 : index
    %get3A_42 = arith.constant 0 : index
    %get3A_43 = vector.load %arg4[%get3A_41, %get3A_42] : memref<1x128xf32, #tpu.memory_space<vmem>>, vector<1x128xf32>
    %mul3A_44 = vector.broadcast %get3A_43 : vector<1x128xf32> to vector<10000x128xf32>
    %mul3A_45 = arith.mulf %mul3A_40, %mul3A_44 : vector<10000x128xf32>
    %get3A_46 = arith.constant 0 : index
    %get3A_47 = arith.constant 0 : index
    %get3A_48 = vector.load %arg5[%get3A_46, %get3A_47] : memref<1x128xf32, #tpu.memory_space<vmem>>, vector<1x128xf32>
    %add3A_49 = vector.broadcast %get3A_48 : vector<1x128xf32> to vector<10000x128xf32>
    %add3A_50 = arith.addf %mul3A_45, %add3A_49 : vector<10000x128xf32>
    %max3A = arith.constant 0.000000e+00 : f32
    %max3A_51 = vector.broadcast %max3A : f32 to vector<10000x128xf32>
    %max3A_52 = arith.maximumf %add3A_50, %max3A_51 : vector<10000x128xf32>
    %get3A_53 = arith.constant 0 : index
    %get3A_54 = arith.constant 0 : index
    %get3A_55 = vector.load %arg6[%get3A_53, %get3A_54] : memref<128x128xf32, #tpu.memory_space<vmem>>, vector<128x128xf32>
    %dot_general3A_56 = arith.constant dense<0.000000e+00> : vector<10000x128xf32>
    %dot_general3A_57 = tpu.matmul %max3A_52, %get3A_55, %dot_general3A_56 {dimension_numbers = #tpu.dot_dimension_numbers<[1], [0], [0], [1], [0, 0, 1, 1], [], []>, transpose_lhs_hint = false} : vector<10000x128xf32>, vector<128x128xf32>, vector<10000x128xf32> -> vector<10000x128xf32>
    %get3A_58 = arith.constant 0 : index
    %get3A_59 = arith.constant 0 : index
    %get3A_60 = vector.load %arg7[%get3A_58, %get3A_59] : memref<1x128xf32, #tpu.memory_space<vmem>>, vector<1x128xf32>
    %add3A_61 = vector.broadcast %get3A_60 : vector<1x128xf32> to vector<10000x128xf32>
    %add3A_62 = arith.addf %dot_general3A_57, %add3A_61 : vector<10000x128xf32>
    %max3A_63 = arith.constant 0.000000e+00 : f32
    %max3A_64 = vector.broadcast %max3A_63 : f32 to vector<10000x128xf32>
    %max3A_65 = arith.maximumf %add3A_62, %max3A_64 : vector<10000x128xf32>
    %swap3A = arith.constant 0 : index
    %swap3A_66 = arith.constant 0 : index
    %swap3A_67 = vector.load %arg8[%swap3A, %swap3A_66] : memref<10000x128xf32, #tpu.memory_space<vmem>>, vector<10000x128xf32>
    tpu.vector_store %arg8[%swap3A, %swap3A_66], %max3A_65 {strides = array<i32>} : memref<10000x128xf32, #tpu.memory_space<vmem>>, vector<10000x128xf32>,
    return
  }
}

module attributes {stable_mosaic.version = 14 : i64} {
  func.func @_head_body(%arg0: memref<10000x128xf32, #tpu.memory_space<vmem>>, %arg1: memref<128x128xf32, #tpu.memory_space<vmem>>, %arg2: memref<1x128xf32, #tpu.memory_space<vmem>>, %arg3: memref<128x40xf32, #tpu.memory_space<vmem>>, %arg4: memref<1x40xf32, #tpu.memory_space<vmem>>, %arg5: memref<10000x40xf32, #tpu.memory_space<vmem>>) attributes {dimension_semantics = [], scalar_prefetch = 0 : i64, scratch_operands = 0 : i64, tpu.core_type = #tpu.core_type<tc>} {
    %get3A = arith.constant 0 : index
    %get3A_0 = arith.constant 0 : index
    %get3A_1 = vector.load %arg0[%get3A, %get3A_0] : memref<10000x128xf32, #tpu.memory_space<vmem>>, vector<10000x128xf32>
    %get3A_2 = arith.constant 0 : index
    %get3A_3 = arith.constant 0 : index
    %get3A_4 = vector.load %arg1[%get3A_2, %get3A_3] : memref<128x128xf32, #tpu.memory_space<vmem>>, vector<128x128xf32>
    %dot_general3A = arith.constant dense<0.000000e+00> : vector<10000x128xf32>
    %dot_general3A_5 = tpu.matmul %get3A_1, %get3A_4, %dot_general3A {dimension_numbers = #tpu.dot_dimension_numbers<[1], [0], [0], [1], [0, 0, 1, 1], [], []>, transpose_lhs_hint = false} : vector<10000x128xf32>, vector<128x128xf32>, vector<10000x128xf32> -> vector<10000x128xf32>
    %get3A_6 = arith.constant 0 : index
    %get3A_7 = arith.constant 0 : index
    %get3A_8 = vector.load %arg2[%get3A_6, %get3A_7] : memref<1x128xf32, #tpu.memory_space<vmem>>, vector<1x128xf32>
    %add3A = vector.broadcast %get3A_8 : vector<1x128xf32> to vector<10000x128xf32>
    %add3A_9 = arith.addf %dot_general3A_5, %add3A : vector<10000x128xf32>
    %max3A = arith.constant 0.000000e+00 : f32
    %max3A_10 = vector.broadcast %max3A : f32 to vector<10000x128xf32>
    %max3A_11 = arith.maximumf %add3A_9, %max3A_10 : vector<10000x128xf32>
    %get3A_12 = arith.constant 0 : index
    %get3A_13 = arith.constant 0 : index
    %get3A_14 = vector.load %arg3[%get3A_12, %get3A_13] : memref<128x40xf32, #tpu.memory_space<vmem>>, vector<128x40xf32>
    %dot_general3A_15 = arith.constant dense<0.000000e+00> : vector<10000x40xf32>
    %dot_general3A_16 = tpu.matmul %max3A_11, %get3A_14, %dot_general3A_15 {dimension_numbers = #tpu.dot_dimension_numbers<[1], [0], [0], [1], [0, 0, 1, 1], [], []>, transpose_lhs_hint = false} : vector<10000x128xf32>, vector<128x40xf32>, vector<10000x40xf32> -> vector<10000x40xf32>
    %get3A_17 = arith.constant 0 : index
    %get3A_18 = arith.constant 0 : index
    %get3A_19 = vector.load %arg4[%get3A_17, %get3A_18] : memref<1x40xf32, #tpu.memory_space<vmem>>, vector<1x40xf32>
    %add3A_20 = vector.broadcast %get3A_19 : vector<1x40xf32> to vector<10000x40xf32>
    %add3A_21 = arith.addf %dot_general3A_16, %add3A_20 : vector<10000x40xf32>
    %swap3A = arith.constant 0 : index
    %swap3A_22 = arith.constant 0 : index
    %swap3A_23 = vector.load %arg5[%swap3A, %swap3A_22] : memref<10000x40xf32, #tpu.memory_space<vmem>>, vector<10000x40xf32>
    tpu.vector_store %arg5[%swap3A, %swap3A_22], %add3A_21 {strides = array<i32>} : memref<10000x40xf32, #tpu.memory_space<vmem>>, vector<10000x40xf32>,
    return
  }
}

</mosaic_0001>

<sc_bundles>
// kernel: kernel.12.cloned.1.call-start
scs
__scs_entry_jumppad:
0x0: {  	(pc) =	sbr.rel $0x88, $3  }
0x1: {  	(tag) =	ssettag $0x0;
	lr =	simm.s32 $0x1  }
0x2: {  	[smem:$0x3F89] =	sst lr;
	_ =	strace $0xD0000000  }
0x3: {  	_ = 	snop  }
0x4: {  	_ = 	snop  }
0x5: {  	_ = 	snop  }
0x6: {  	_ = 	snop  }
0x7: {  	_ = 	snop  }
__scs_overlays_trampoline_lowered:
0x8: {  	[smem:$0x3F98] =	sst s0  }
0x9: {  	[smem:$0x3F99] =	sst s1  }
0xa: {  	[smem:$0x3F9A] =	sst s2  }
0xb: {  	[smem:$0x3F9B] =	sst s3  }
0xc: {  	[smem:$0x3F9C] =	sst s4  }
0xd: {  	[smem:$0x3F9D] =	sst s5  }
0xe: {  	[smem:$0x3F9E] =	sst s6  }
0xf: {  	[smem:$0x3F9F] =	sst s7  }
0x10: {  	[smem:$0x3FA0] =	sst s8  }
0x11: {  	[smem:$0x3FA1] =	sst s9;
	s0 =	simm.s32 @!p0 $0x0  }
0x12: {  	s1 =	sld [smem:$0x3F87];
	s0 =	simm.s32 @p0 $0x1  }
0x13: {  	[smem:$0x3FA2] =	sst s0;
	s0 =	simm.s32 @!p1 $0x0  }
0x14: {  	s2 =	sld [smem:$0x3F86];
	s0 =	simm.s32 @p1 $0x1  }
0x15: {  	[smem:$0x3FA3] =	sst s0;
	s0 =	simm.s32 @!p2 $0x0  }
0x16: {  	s3 =	sld [smem:$0x3FDB];
	s0 =	simm.s32 @p2 $0x1  }
0x17: {  	s4 =	simm.s32 $0x1BF5;
	[smem:$0x3FA5] =	sst s0  }
0x18: {  	s0 =	sld [smem:$0x3F88];
	_ =	swait.ge [sflag:s4], $0x0  }
0x19: {  	s7 =	sld [smem:$0x3F89]  }
0x1a: {  	s8 =	sadd.s32 $0xFFFFE003, lr  }
0x1b: {  	s9 =	sadd.s32 $0xFFFFFEF7, lr;
	s5 =	simm.s32 $0xFFFFFFFF;
	p2 =	slt.u32 s8, $0xFFFFF086  }
0x1c: {  	p1 =	slt.u32 s9, $0xF7A;
	s5 =	simm.s32 @!p2 $0x0  }
0x1d: {  	s5 =	simm.s32 @p1 $0x1;
	p0 =	seq.s32 s7, s2  }
0x1e: {  	s7 =	smul.u32 @!p0 $0xF7A, s2;
	p2 =	seq.s32 @!p0 s5, $0x0  }
0x1f: {  	s9 =	smul.u32 $0xF7A, s1;
	s8 =	simm.s32 @!p0 $0x1BF5;
	p2 =	por !p2, p0  }
0x20: {  	[sflag:s8] =	ssyncset.s32 @!p0 $0xFFFFF086;
	s6 =	sadd.s32 @!p0 s3, s7;
	s7 =	simm.s32 @!p0 $0x108  }
0x21: {  	s3 =	sadd.s32 s3, s9;
	s6 =	sadd.s32 @!p0 $0x88, s6;
	s7 =	simm.s32 @p2 $0x1082  }
0x22: {  	[simem:s7], [sflag:s8] =	dma.local @!p0 [hbm:s6], $0xF7A  }
0x23: {  	s9 =	sor.u32 $0xD0000000, s2;
	s6 =	simm.s32 $0x108;
	_ =	swait.ge @!p0 [sflag:s8], $0x0  }
0x24: {  	s3 =	sadd.s32 $0x88, s3;
	s6 =	simm.s32 @!p1 $0x1082;
	[sflag:s4] =	ssyncset.s32 $0xFFFFF086  }
0x25: {  	[simem:s6], [sflag:s4] =	dma.local [hbm:s3], $0xF7A  }
0x26: {  	[smem:$0x3F89] =	sst s1;
	(tag) =	ssettag s2;
	_ =	strace s9  }
0x27: {  	s1 =	sld [smem:$0x3F99]  }
0x28: {  	s2 =	sld [smem:$0x3F9A]  }
0x29: {  	s4 =	sld [smem:$0x3F9C]  }
0x2a: {  	p0 =	seq.s32 s5, $0x0;
	s5 =	sld [smem:$0x3F9D]  }
0x2b: {  	s6 =	sld [smem:$0x3F9E]  }
0x2c: {  	s7 =	sld [smem:$0x3F9F]  }
0x2d: {  	s3 =	simm.s32 $0x108;
	s8 =	sld [smem:$0x3FA0]  }
0x2e: {  	s3 =	simm.s32 @!p0 $0x1082;
	s9 =	sld [smem:$0x3FA1]  }
0x2f: {  	lr =	sadd.s32 s0, s3;
	s0 =	sld [smem:$0x3F98]  }
0x30: {  	s3 =	sld [smem:$0x3F9B]  }
0x31: {  	[smem:$0x3FA4] =	sst s10  }
0x32: {  	s10 =	sld [smem:$0x3FA2];
	_ =	sdelay $0x3  }
0x33: {  	p0 =	seq.s32 s10, $0x1;
	s10 =	sld [smem:$0x3FA4];
	_ =	sdelay $0x3  }
0x34: {  	[smem:$0x3FA4] =	sst s10  }
0x35: {  	s10 =	sld [smem:$0x3FA3];
	_ =	sdelay $0x3  }
0x36: {  	p1 =	seq.s32 s10, $0x1;
	s10 =	sld [smem:$0x3FA4];
	_ =	sdelay $0x3  }
0x37: {  	[smem:$0x3FA4] =	sst s10  }
0x38: {  	s10 =	sld [smem:$0x3FA5]  }
0x39: {  	_ = 	snop;
	(pc) =	sbr.ind lr, $3  }
0x3a: {  	_ = 	snop  }
0x3b: {  	_ = 	snop  }
0x3c: {  	p2 =	seq.s32 s10, $0x1;
	s10 =	sld [smem:$0x3FA4]  }
0x3d: {  	_ =	shalt  }
0x3e: {  	_ =	shalt  }
0x3f: {  	_ =	shalt  }
0x40: {  	_ =	shalt  }
0x41: {  	_ =	shalt  }
0x42: {  	_ =	shalt  }
0x43: {  	_ =	shalt  }
0x44: {  	_ =	shalt  }
0x45: {  	_ =	shalt  }
0x46: {  	_ =	shalt  }
0x47: {  	_ =	shalt  }
0x48: {  	_ =	shalt  }
0x49: {  	_ =	shalt  }
0x4a: {  	_ =	shalt  }
0x4b: {  	_ =	shalt  }
0x4c: {  	_ =	shalt  }
0x4d: {  	_ =	shalt  }
0x4e: {  	_ =	shalt  }
0x4f: {  	_ =	shalt  }
0x50: {  	_ =	shalt  }
0x51: {  	_ =	shalt  }
0x52: {  	_ =	shalt  }
0x53: {  	_ =	shalt  }
0x54: {  	_ =	shalt  }
0x55: {  	_ =	shalt  }
0x56: {  	_ =	shalt  }
0x57: {  	_ =	shalt  }
0x58: {  	_ =	shalt  }
0x59: {  	_ =	shalt  }
0x5a: {  	_ =	shalt  }
0x5b: {  	_ =	shalt  }
0x5c: {  	_ =	shalt  }
0x5d: {  	_ =	shalt  }
0x5e: {  	_ =	shalt  }
0x5f: {  	_ =	shalt  }
0x60: {  	_ =	shalt  }
0x61: {  	_ =	shalt  }
0x62: {  	_ =	shalt  }
0x63: {  	_ =	shalt  }
0x64: {  	_ =	shalt  }
0x65: {  	_ =	shalt  }
0x66: {  	_ =	shalt  }
0x67: {  	_ =	shalt  }
0x68: {  	_ =	shalt  }
0x69: {  	_ =	shalt  }
0x6a: {  	_ =	shalt  }
0x6b: {  	_ =	shalt  }
0x6c: {  	_ =	shalt  }
0x6d: {  	_ =	shalt  }
0x6e: {  	_ =	shalt  }
0x6f: {  	_ =	shalt  }
0x70: {  	_ =	shalt  }
0x71: {  	_ =	shalt  }
0x72: {  	_ =	shalt  }
0x73: {  	_ =	shalt  }
0x74: {  	_ =	shalt  }
0x75: {  	_ =	shalt  }
0x76: {  	_ =	shalt  }
0x77: {  	_ =	shalt  }
0x78: {  	_ =	shalt  }
0x79: {  	_ =	shalt  }
0x7a: {  	_ =	shalt  }
0x7b: {  	_ =	shalt  }
0x7c: {  	_ =	shalt  }
0x7d: {  	_ =	shalt  }
0x7e: {  	_ =	shalt  }
0x7f: {  	_ =	shalt  }
0x80: {  	_ =	shalt  }
0x81: {  	_ =	shalt  }
0x82: {  	_ =	shalt  }
0x83: {  	_ =	shalt  }
0x84: {  	_ =	shalt  }
0x85: {  	_ =	shalt  }
0x86: {  	_ =	shalt  }
0x87: {  	_ =	shalt  }
.Lfunc_end0:
.L_simem_size_0:
called_computation.1_lowered:
.L_overlay_start_0:
0x88: {  	s2 =	sld [smem:$0x3FD9]  }
0x89: {  	s3 =	sld [smem:$0x3FFE];
	_ =	sdelay $0x1  }
0x8a: {  	s1 =	srdreg.scid  }
0x8b: {  	s0 =	sand.u32 $0x1, s1  }
0x8c: {  	s17 =	sshll.u32 s0, $0xA;
	s2 =	sadd.s32 s3, s2  }
0x8d: {  	s2 =	sadd.s32 s2, s17  }
0x8e: {  	[smem:$0x3FB0] =	sst s2  }
0x8f: {  	_ = 	snop  }
0x90: {  	s2 =	sld [smem:$0x3FD0];
	(tm) =	ssettm $0x1  }
0x91: {  	s18 =	sld [smem:$0x3FFB];
	_ =	sdelay $0x3  }
0x92: {  	_ =	strace s18  }
0x93: {  	s3 =	sld [smem:$0x3FFC];
	_ =	sdelay $0x3  }
0x94: {  	_ =	strace s3  }
0x95: {  	s3 =	sld [smem:$0x3FFD];
	_ =	sdelay $0x3  }
0x96: {  	_ =	strace s3  }
0x97: {  	_ =	strace $0x8FFFFFFF  }
0x98: {  	s19 =	sld [smem:$0x3FDB];
	_ =	sdelay $0x1  }
0x99: {  	s4 =	simm.s32 $_scs_section_size  }
0x9a: {  	s5 =	simm.s32 $_size__tile_overlayer_lowered;
	s6 =	simm.s32 $_tile_overlayer_lowered  }
0x9b: {  	s22 =	simm.s32 $0x1BFF;
	s21 =	sshll.u32 s6, $0x1;
	s3 =	sadd.s32 s4, s19  }
0x9c: {  	s7 =	simm.s32 $0x0;
	s20 =	sshll.u32 s5, $0x1;
	s5 =	sadd.s32 s21, s3  }
0x9d: {  	[timem:s7], [sflag:s22] =	dma.local [hbm:s5], s20  }
0x9e: {  	_ =	swait.ge [sflag:s22], s20  }
0x9f: {  	s4 =	ssub.s32 $0x0, s20;
	[sflag:s22] =	ssyncset.done $0x0  }
0xa0: {  	[sflag:s22] =	ssyncadd.s32 s4;
	_ =	sdelay $0x1  }
0xa1: {  	s23 =	simm.s32 $0x1B8B  }
0xa2: {  	_ =	swait.ge [sflag:s23], $0x1  }
0xa3: {  	[sflag:s23] =	ssyncset.done $0x0  }
0xa4: {  	s25 =	simm.s32 $0x1B8E;
	s24 =	sld [smem:$0x3FFE];
	[sflag:s23] =	ssyncadd.s32 $0xFFFFFFFF  }
0xa5: {  	s26 =	simm.s32 $execute0_lowered;
	[smem:$0x3FD2] =	sst s25  }
0xa6: {  	s5 =	sshll.u32 s26, $0x1;
	_ =	strace $0x80000049;
	[dreg:$0x1] =	wrdreg $0xFFFFFFFF  }
0xa7: {  	s28 =	simm.s32 $_size_execute0_lowered;
	s3 =	sadd.s32 s3, s5;
	[dreg:$0x0] =	wrdreg $0x0  }
0xa8: {  	s5 =	sshll.u32 s28, $0x1;
	[dreg:$0x2] =	wrdreg s3  }
0xa9: {  	[dreg:$0x3] =	wrdreg s5  }
0xaa: {  	[dreg:$0x4] =	wrdreg $0xC0  }
0xab: {  	_ =	task [dreg:s7], $0x5FFFF  }
0xac: {  	[dreg:$0x1] =	wrdreg $0xFFFFFFFF  }
0xad: {  	[dreg:$0x0] =	wrdreg $0x60  }
0xae: {  	[dreg:$0x2] =	wrdreg s24  }
0xaf: {  	[dreg:$0x3] =	wrdreg s2  }
0xb0: {  	[dreg:$0x4] =	wrdreg $0xA9000  }
0xb1: {  	[dreg:$0x5] =	wrdreg $0x9  }
0xb2: {  	_ =	task.clear_ibuf [dreg:s7], $0x6FFFF;
	_ =	strace $0x90000049  }
0xb3: {  	s29 =	simm.s32 $0x9;
	_ =	strace $0x8000004B  }
0xb4: {  	_ =	swait.ge [sflag:s29], $0x1  }
0xb5: {  	[sflag:s29] =	ssyncadd.s32 $0xFFFFFFFF  }
0xb6: {  	_ =	strace $0x9000004B  }
0xb7: {  	_ =	sfence  }
0xb8: {  	s30 =	sld [smem:$0x0];
	_ =	sdelay $0x2  }
0xb9: {  	s31 =	sshll.u32 s1, $0xD;
	s1 =	sshrl.u32 s1, $0x2  }
0xba: {  	s3 =	sand.u32 $0x4000, s31;
	s1 =	sadd.s32 s1, s30  }
0xbb: {  	s0 =	sor.u32 s3, s0;
	s1 =	sshll.u32 s1, $0x11  }
0xbc: {  	s0 =	sor.u32 s1, s0  }
0xbd: {  	s0 =	sadd.s32 $0x8F2B, s0  }
0xbe: {  	[sflag:s0] =	ssyncadd.remote.s32 $0x1  }
0xbf: {  	_ =	sfence.sel $0xFFFF  }
0xc0: {  	[dreg:$0x0] =	wrdreg $0xFFFFFFFF;
	(pc) =	sbr.abs _section_cstart, $3  }
0xc1: {  	[dreg:$0x1] =	wrdreg $0xFFFFFFFF  }
0xc2: {  	_ =	task.clear_ibuf [dreg:s7], $0x2FFFF;
	_ =	strace $0x9FFFFFFF  }
0xc3: {  	(tm) =	ssettm $0x7FFFFFFF  }
tec
execute0_lowered:
.L_overlay_start_1:
0x0: {  	(tag) =	ssettag $0x1  }
0x1: {  	s7 =	rddreg [dreg:$0x0]  }
0x2: {  	s8 =	rddreg [dreg:$0x1]  }
0x3: {  	s2 =	rddreg [dreg:$0x2]  }
0x4: {  	s3 =	simm.s32 $0x0;
	s1 =	stileid.u32;
	s4 =	srdreg.scid  }
0x5: {  	s16 =	simm.s32 $0x80;
	s17 =	simm.s32 $0x2900;
	s18 =	simm.s32 $0x6900  }
0x6: {  	s21 =	simm.s32 $0x1;
	s22 =	simm.s32 $0x3;
	s23 =	simm.s32 $0x2  }
0x7: {  	s24 =	simm.s32 $0x4;
	s25 =	simm.s32 $0x0;
	[smem:$0x7FF] =	sst s3  }
0x8: {  	s6 =	smul.u32 $0x13C00, s1;
	s9 =	sand.u32 $0x1, s4;
	s11 =	sshll.u32 s1, $0x1  }
0x9: {  	s4 =	sadd.s32 $0x35E00, s7;
	s5 =	sadd.s32 $0x4600, s7;
	s14 =	smul.u32 $0x4F000, s1  }
0xa: {  	s19 =	sshll.u32 s1, $0x6;
	_ =	strace $0x8000004A;
	s10 =	smul.u32 $0x13C000, s9  }
0xb: {  	s11 =	sor.u32 s9, s11;
	s9 =	ssub.s32 $0x2, s9;
	s19 =	sor.u32 $0x1C05, s19  }
0xc: {  	s12 =	sshrl.u32 s6, $0x3;
	s30 =	sshrl.u32 s9, $0x1;
	s31 =	sshrl.u32 s14, $0x2  }
0xd: {  	s14 =	simm.s32 $0x2800;
	s10 =	sadd.s32 s6, s10;
	s6 =	smul.u32 $0x2800, s11  }
0xe: {  	s29 =	sadd.s32 s12, s7;
	s12 =	ssub.s32 s9, s30;
	s20 =	sadd.s32 s31, s2  }
0xf: {  	s10 =	sshrl.u32 s10, $0x3;
	s12 =	smax.u32 s12, $0x1;
	s20 =	sshrl.u32 s20, $0x3  }
0x10: {  	s13 =	sshrl.u32 s6, $0x3;
	s15 =	sadd.s32 s10, s7;
	s10 =	sadd.s32 $0xE600, s29  }
0x11: {  	s7 =	sadd.s32 s5, s13;
	s8 =	sadd.s32 s8, s13;
	s11 =	sadd.s32 $0x5D000, s15  }
0x12: {  	s13 =	simm.s32 $0x5;
	s15 =	simm.s32 $0x2880;
	s9 =	sadd.s32 $0x10, s7  }
.LBB2_1:
0x13: {  	[tilespmem:s3], [sflag:$0x5] =	stream.linear.gather [hbm4b:s8+s3], $0x2800, $0x38;
	[tilespmem:$0x1E500] =	vst v63  }
0x14: {  	_ =	swait.ge [sflag:s13], $0x2800  }
0x15: {  	[sflag:s13] =	ssyncset.done $0x0  }
0x16: {  	[sflag:s13] =	ssyncadd.s32 $0xFFFFD800  }
0x17: {  	[tilespmem:s14], [sflag:$0x3] =	stream.linear.gather [hbm4b:s7+s3], $0x80, $0x38;
	[tilespmem:$0x1E500] =	vst v63  }
0x18: {  	_ = 	snop  }
0x19: {  	[tilespmem:s15], [sflag:$0x4] =	stream.linear.gather [hbm4b:s9+s3], $0x80, $0x38;
	[tilespmem:$0x1E500] =	vst v63  }
0x1a: {  	_ = 	snop  }
0x1b: {  	[tilespmem:s17], [sflag:$0x1] =	stream.indirect.gather [hbm4b:s4+s16], $0x80, s3, s16, $0xb8;
	[tilespmem:$0x1E500] =	vst v63  }
0x1c: {  	_ = 	snop  }
0x1d: {  	[tilespmem:s18], [sflag:$0x2] =	stream.indirect.gather [hbm4b:s4+s16], $0x80, s16, s16, $0xb8;
	[tilespmem:$0x1E500] =	vst v63  }
0x1e: {  	[spmem:s20], [sflag:s19] =	dma.local [hbm:s10], $0x2780  }
0x1f: {  	_ =	swait.ge [sflag:s13], $0x2780  }
0x20: {  	[sflag:s13] =	ssyncset.done $0x0  }
0x21: {  	[sflag:s13] =	ssyncadd.s32 $0xFFFFD880  }
0x22: {  	[bflag:$0x0] =	sbarrier.arrive $0xFFFF  }
0x23: {  	_ =	swait.ge [sflag:s21], $0x4000  }
0x24: {  	[sflag:s21] =	ssyncset.done $0x0  }
0x25: {  	[sflag:s21] =	ssyncadd.s32 $0xFFFFC000  }
0x26: {  	s26 =	simm.s32 $0x100;
	_ =	swait.ge [sflag:s22], $0x80  }
0x27: {  	s28 =	sand.u32 $0x7C00, s26;
	[sflag:s22] =	ssyncset.done $0x0  }
0x28: {  	s26 =	sand.u32 $0x300, s26;
	s28 =	sadd.s32 s6, s28;
	[sflag:s22] =	ssyncadd.s32 $0xFFFFFF80  }
0x29: {  	[spmem:s2] =	stream.indirect.scatter.add.f32 [tilespmem:s17], [sflag:$0x5], $0x80, s14, s16, $0xb8;
	[tilespmem:$0x1E500] =	vst v63  }
0x2a: {  	s26 =	sor.u32 s26, s28;
	_ =	swait.ge [sflag:s13], $0x4000  }
0x2b: {  	s26 =	sshrl.u32 s26, $0x3;
	[sflag:s13] =	ssyncset.done $0x0  }
0x2c: {  	s26 =	sadd.s32 s5, s26;
	[sflag:s13] =	ssyncadd.s32 $0xFFFFC000  }
0x2d: {  	[tilespmem:s14], [sflag:$0x3] =	stream.linear.gather [hbm4b:s26+s3], $0x80, $0x38;
	[tilespmem:$0x1E500] =	vst v63  }
0x2e: {  	s30 =	simm.s32 $0x100  }
0x2f: {  	[tilespmem:s17], [sflag:$0x1] =	stream.indirect.gather [hbm4b:s4+s16], $0x80, s30, s16, $0xb8;
	[tilespmem:$0x1E500] =	vst v63  }
0x30: {  	_ =	swait.ge [sflag:s23], $0x4000  }
0x31: {  	[sflag:s23] =	ssyncset.done $0x0  }
0x32: {  	[sflag:s23] =	ssyncadd.s32 $0xFFFFC000  }
0x33: {  	s31 =	simm.s32 $0x180;
	_ =	swait.ge [sflag:s24], $0x80  }
0x34: {  	s28 =	sand.u32 $0x7C00, s31;
	[sflag:s24] =	ssyncset.done $0x0  }
0x35: {  	s28 =	sadd.s32 s6, s28;
	s26 =	sand.u32 $0x380, s31;
	[sflag:s24] =	ssyncadd.s32 $0xFFFFFF80  }
0x36: {  	[spmem:s2] =	stream.indirect.scatter.add.f32 [tilespmem:s18], [sflag:$0x5], $0x80, s15, s16, $0xb8;
	[tilespmem:$0x1E500] =	vst v63  }
0x37: {  	s26 =	sor.u32 s26, s28;
	_ =	swait.ge [sflag:s13], $0x4000  }
0x38: {  	s26 =	sshrl.u32 s26, $0x3;
	[sflag:s13] =	ssyncset.done $0x0  }
0x39: {  	s26 =	sadd.s32 s5, s26;
	[sflag:s13] =	ssyncadd.s32 $0xFFFFC000  }
0x3a: {  	[tilespmem:s15], [sflag:$0x4] =	stream.linear.gather [hbm4b:s26+s3], $0x80, $0x38;
	[tilespmem:$0x1E500] =	vst v63  }
0x3b: {  	s29 =	simm.s32 $0x200;
	s28 =	simm.s32 $0x180;
	s26 =	simm.s32 $0x280  }
.LBB2_2:
0x3c: {  	s30 =	sadd.s32 $0x80, s29  }
0x3d: {  	p0 =	sne.s32 s26, $0x2780;
	s31 =	smov.u32 s26;
	s26 =	sadd.s32 $0x100, s26  }
0x3e: {  	[tilespmem:s18], [sflag:$0x2] =	stream.indirect.gather [hbm4b:s4+s16], $0x80, s28, s16, $0xb8;
	[tilespmem:$0x1E500] =	vst v63  }
0x3f: {  	s28 =	smov.u32 s30;
	_ =	swait.ge [sflag:s21], $0x4000  }
0x40: {  	[sflag:s21] =	ssyncset.done $0x0  }
0x41: {  	[sflag:s21] =	ssyncadd.s32 $0xFFFFC000  }
0x42: {  	_ =	swait.ge [sflag:s22], $0x80  }
0x43: {  	s30 =	sadd.s32 $0xFFFFFF80, s31;
	[sflag:s22] =	ssyncset.done $0x0  }
0x44: {  	s0 =	sand.u32 $0x7C00, s30;
	s30 =	sand.u32 $0x300, s30;
	[sflag:s22] =	ssyncadd.s32 $0xFFFFFF80  }
0x45: {  	[spmem:s2] =	stream.indirect.scatter.add.f32 [tilespmem:s17], [sflag:$0x5], $0x80, s14, s16, $0xb8;
	[tilespmem:$0x1E500] =	vst v63  }
0x46: {  	s0 =	sadd.s32 s6, s0;
	_ =	swait.ge [sflag:s13], $0x4000  }
0x47: {  	s0 =	sor.u32 s30, s0;
	[sflag:s13] =	ssyncset.done $0x0  }
0x48: {  	s0 =	sshrl.u32 s0, $0x3;
	[sflag:s13] =	ssyncadd.s32 $0xFFFFC000  }
0x49: {  	s0 =	sadd.s32 s5, s0  }
0x4a: {  	[tilespmem:s14], [sflag:$0x3] =	stream.linear.gather [hbm4b:s0+s3], $0x80, $0x38;
	[tilespmem:$0x1E500] =	vst v63  }
0x4b: {  	_ = 	snop  }
0x4c: {  	[tilespmem:s17], [sflag:$0x1] =	stream.indirect.gather [hbm4b:s4+s16], $0x80, s29, s16, $0xb8;
	[tilespmem:$0x1E500] =	vst v63  }
0x4d: {  	_ =	swait.ge [sflag:s23], $0x4000  }
0x4e: {  	[sflag:s23] =	ssyncset.done $0x0  }
0x4f: {  	[sflag:s23] =	ssyncadd.s32 $0xFFFFC000  }
0x50: {  	_ =	swait.ge [sflag:s24], $0x80  }
0x51: {  	s0 =	sand.u32 $0x7C00, s31;
	[sflag:s24] =	ssyncset.done $0x0  }
0x52: {  	s30 =	sand.u32 $0x380, s31;
	s0 =	sadd.s32 s6, s0;
	[sflag:s24] =	ssyncadd.s32 $0xFFFFFF80  }
0x53: {  	[spmem:s2] =	stream.indirect.scatter.add.f32 [tilespmem:s18], [sflag:$0x5], $0x80, s15, s16, $0xb8;
	[tilespmem:$0x1E500] =	vst v63  }
.Ltmp0:
0x54: {  	_ = 	snop;
	(pc) =	sbr.rel @p0 .LBB2_2-.Ltmp0, $4  }
0x55: {  	s0 =	sor.u32 s30, s0;
	_ =	swait.ge [sflag:s13], $0x4000  }
0x56: {  	s0 =	sshrl.u32 s0, $0x3;
	[sflag:s13] =	ssyncset.done $0x0  }
0x57: {  	s29 =	sadd.s32 $0x100, s29;
	s0 =	sadd.s32 s5, s0;
	[sflag:s13] =	ssyncadd.s32 $0xFFFFC000  }
0x58: {  	[tilespmem:s15], [sflag:$0x4] =	stream.linear.gather [hbm4b:s0+s3], $0x80, $0x38;
	[tilespmem:$0x1E500] =	vst v63  }
0x59: {  	[tilespmem:s18], [sflag:$0x2] =	stream.indirect.gather [hbm4b:s4+s16], $0x80, s28, s16, $0xb8;
	[tilespmem:$0x1E500] =	vst v63  }
0x5a: {  	_ =	swait.ge [sflag:s21], $0x4000  }
0x5b: {  	[sflag:s21] =	ssyncset.done $0x0  }
0x5c: {  	[sflag:s21] =	ssyncadd.s32 $0xFFFFC000  }
0x5d: {  	_ =	swait.ge [sflag:s22], $0x80  }
0x5e: {  	[sflag:s22] =	ssyncset.done $0x0  }
0x5f: {  	[sflag:s22] =	ssyncadd.s32 $0xFFFFFF80  }
0x60: {  	[spmem:s2] =	stream.indirect.scatter.add.f32 [tilespmem:s17], [sflag:$0x5], $0x80, s14, s16, $0xb8;
	[tilespmem:$0x1E500] =	vst v63  }
0x61: {  	_ =	swait.ge [sflag:s13], $0x4000  }
0x62: {  	[sflag:s13] =	ssyncset.done $0x0  }
0x63: {  	[sflag:s13] =	ssyncadd.s32 $0xFFFFC000  }
0x64: {  	_ =	swait.ge [sflag:s23], $0x4000  }
0x65: {  	[sflag:s23] =	ssyncset.done $0x0  }
0x66: {  	[sflag:s23] =	ssyncadd.s32 $0xFFFFC000  }
0x67: {  	_ =	swait.ge [sflag:s24], $0x80  }
0x68: {  	[sflag:s24] =	ssyncset.done $0x0  }
0x69: {  	[sflag:s24] =	ssyncadd.s32 $0xFFFFFF80  }
0x6a: {  	[spmem:s2] =	stream.indirect.scatter.add.f32 [tilespmem:s18], [sflag:$0x5], $0x80, s15, s16, $0xb8;
	[tilespmem:$0x1E500] =	vst v63  }
0x6b: {  	_ =	swait.ge [sflag:s13], $0x4000  }
0x6c: {  	s25 =	sadd.s32 $0x1, s25;
	[sflag:s13] =	ssyncset.done $0x0  }
0x6d: {  	p0 =	sne.s32 s25, s12;
	[sflag:s13] =	ssyncadd.s32 $0xFFFFC000  }
.Ltmp1:
0x6e: {  	[bflag:$0x0] =	sbarrier.arrive $0xFFFF;
	(pc) =	sbr.rel @p0 .LBB2_1-.Ltmp1, $4  }
0x6f: {  	[hbm:s11], [sflag:s19] =	dma.local [spmem:s20], $0x2780  }
0x70: {  	_ =	swait.ge [sflag:s13], $0x2780  }
0x71: {  	[sflag:s13] =	ssyncset.done $0x0  }
0x72: {  	[sflag:s13] =	ssyncadd.s32 $0xFFFFD880  }
0x73: {  	_ =	sfence.sel $0x180000  }
0x74: {  	[bflag:$0x0] =	sbarrier.arrive $0xFFFF  }
0x75: {  	_ =	strace $0x9000004A  }
0x76: {  	[bflag:$0x2] =	sbarrier.arrive $0xFFFF  }
0x77: {  	p0 =	sne.s32 s1, $0x0;
	s0 =	rddreg [dreg:$0x3]  }
0x78: {  	s0 =	sadd.s32 @!p0 $0x100000, s0  }
0x79: {  	[sflag:s0] =	ssyncadd.tile.s32 @!p0 $0x1;
	_ =	shalt  }
.Lfunc_end2:
_tile_overlayer_lowered:
.L_overlay_start_2:
0x7a: {  	(tag) =	ssettag $0x2  }
0x7b: {  	s0 =	rddreg [dreg:$0x0];
	s2 =	stileid.u32  }
0x7c: {  	s1 =	rddreg [dreg:$0x1];
	p0 =	sne.s32 s2, $0x0  }
0x7d: {  	s3 =	rddreg [dreg:$0x2];
	[bflag:$0x3] =	sbarrier.arrive $0xFFFF;
	s2 =	simm.s32 @!p0 $0x1C05  }
0x7e: {  	[timem:s3], [sflag:s2] =	dma.local @!p0 [hbm:s0], s1  }
0x7f: {  	s0 =	simm.s32 @!p0 $0x5  }
0x80: {  	_ =	swait.ge @!p0 [sflag:s0], s1  }
0x81: {  	s1 =	ssub.s32 @!p0 $0x0, s1;
	[sflag:s0] =	ssyncset.done @!p0 $0x0  }
0x82: {  	[sflag:s0] =	ssyncadd.s32 @!p0 s1  }
0x83: {  	[bflag:$0x3] =	sbarrier.arrive $0xFFFF  }
0x84: {  	_ =	shalt  }

// kernel: kernel.15.cloned.1.call-start
scs
__scs_entry_jumppad:
0x0: {  	(pc) =	sbr.rel $0x88, $3  }
0x1: {  	(tag) =	ssettag $0x0;
	lr =	simm.s32 $0x1  }
0x2: {  	[smem:$0x3F89] =	sst lr;
	_ =	strace $0xD0000000  }
0x3: {  	_ = 	snop  }
0x4: {  	_ = 	snop  }
0x5: {  	_ = 	snop  }
0x6: {  	_ = 	snop  }
0x7: {  	_ = 	snop  }
__scs_overlays_trampoline_lowered:
0x8: {  	[smem:$0x3F98] =	sst s0  }
0x9: {  	[smem:$0x3F99] =	sst s1  }
0xa: {  	[smem:$0x3F9A] =	sst s2  }
0xb: {  	[smem:$0x3F9B] =	sst s3  }
0xc: {  	[smem:$0x3F9C] =	sst s4  }
0xd: {  	[smem:$0x3F9D] =	sst s5  }
0xe: {  	[smem:$0x3F9E] =	sst s6  }
0xf: {  	[smem:$0x3F9F] =	sst s7  }
0x10: {  	[smem:$0x3FA0] =	sst s8  }
0x11: {  	[smem:$0x3FA1] =	sst s9;
	s0 =	simm.s32 @!p0 $0x0  }
0x12: {  	s1 =	sld [smem:$0x3F87];
	s0 =	simm.s32 @p0 $0x1  }
0x13: {  	[smem:$0x3FA2] =	sst s0;
	s0 =	simm.s32 @!p1 $0x0  }
0x14: {  	s2 =	sld [smem:$0x3F86];
	s0 =	simm.s32 @p1 $0x1  }
0x15: {  	[smem:$0x3FA3] =	sst s0;
	s0 =	simm.s32 @!p2 $0x0  }
0x16: {  	s3 =	sld [smem:$0x3FDB];
	s0 =	simm.s32 @p2 $0x1  }
0x17: {  	s4 =	simm.s32 $0x1BF5;
	[smem:$0x3FA5] =	sst s0  }
0x18: {  	s0 =	sld [smem:$0x3F88];
	_ =	swait.ge [sflag:s4], $0x0  }
0x19: {  	s7 =	sld [smem:$0x3F89]  }
0x1a: {  	s8 =	sadd.s32 $0xFFFFE003, lr  }
0x1b: {  	s9 =	sadd.s32 $0xFFFFFEF7, lr;
	s5 =	simm.s32 $0xFFFFFFFF;
	p2 =	slt.u32 s8, $0xFFFFF086  }
0x1c: {  	p1 =	slt.u32 s9, $0xF7A;
	s5 =	simm.s32 @!p2 $0x0  }
0x1d: {  	s5 =	simm.s32 @p1 $0x1;
	p0 =	seq.s32 s7, s2  }
0x1e: {  	s7 =	smul.u32 @!p0 $0xF7A, s2;
	p2 =	seq.s32 @!p0 s5, $0x0  }
0x1f: {  	s9 =	smul.u32 $0xF7A, s1;
	s8 =	simm.s32 @!p0 $0x1BF5;
	p2 =	por !p2, p0  }
0x20: {  	[sflag:s8] =	ssyncset.s32 @!p0 $0xFFFFF086;
	s6 =	sadd.s32 @!p0 s3, s7;
	s7 =	simm.s32 @!p0 $0x108  }
0x21: {  	s3 =	sadd.s32 s3, s9;
	s6 =	sadd.s32 @!p0 $0x88, s6;
	s7 =	simm.s32 @p2 $0x1082  }
0x22: {  	[simem:s7], [sflag:s8] =	dma.local @!p0 [hbm:s6], $0xF7A  }
0x23: {  	s9 =	sor.u32 $0xD0000000, s2;
	s6 =	simm.s32 $0x108;
	_ =	swait.ge @!p0 [sflag:s8], $0x0  }
0x24: {  	s3 =	sadd.s32 $0x88, s3;
	s6 =	simm.s32 @!p1 $0x1082;
	[sflag:s4] =	ssyncset.s32 $0xFFFFF086  }
0x25: {  	[simem:s6], [sflag:s4] =	dma.local [hbm:s3], $0xF7A  }
0x26: {  	[smem:$0x3F89] =	sst s1;
	(tag) =	ssettag s2;
	_ =	strace s9  }
0x27: {  	s1 =	sld [smem:$0x3F99]  }
0x28: {  	s2 =	sld [smem:$0x3F9A]  }
0x29: {  	s4 =	sld [smem:$0x3F9C]  }
0x2a: {  	p0 =	seq.s32 s5, $0x0;
	s5 =	sld [smem:$0x3F9D]  }
0x2b: {  	s6 =	sld [smem:$0x3F9E]  }
0x2c: {  	s7 =	sld [smem:$0x3F9F]  }
0x2d: {  	s3 =	simm.s32 $0x108;
	s8 =	sld [smem:$0x3FA0]  }
0x2e: {  	s3 =	simm.s32 @!p0 $0x1082;
	s9 =	sld [smem:$0x3FA1]  }
0x2f: {  	lr =	sadd.s32 s0, s3;
	s0 =	sld [smem:$0x3F98]  }
0x30: {  	s3 =	sld [smem:$0x3F9B]  }
0x31: {  	[smem:$0x3FA4] =	sst s10  }
0x32: {  	s10 =	sld [smem:$0x3FA2];
	_ =	sdelay $0x3  }
0x33: {  	p0 =	seq.s32 s10, $0x1;
	s10 =	sld [smem:$0x3FA4];
	_ =	sdelay $0x3  }
0x34: {  	[smem:$0x3FA4] =	sst s10  }
0x35: {  	s10 =	sld [smem:$0x3FA3];
	_ =	sdelay $0x3  }
0x36: {  	p1 =	seq.s32 s10, $0x1;
	s10 =	sld [smem:$0x3FA4];
	_ =	sdelay $0x3  }
0x37: {  	[smem:$0x3FA4] =	sst s10  }
0x38: {  	s10 =	sld [smem:$0x3FA5]  }
0x39: {  	_ = 	snop;
	(pc) =	sbr.ind lr, $3  }
0x3a: {  	_ = 	snop  }
0x3b: {  	_ = 	snop  }
0x3c: {  	p2 =	seq.s32 s10, $0x1;
	s10 =	sld [smem:$0x3FA4]  }
0x3d: {  	_ =	shalt  }
0x3e: {  	_ =	shalt  }
0x3f: {  	_ =	shalt  }
0x40: {  	_ =	shalt  }
0x41: {  	_ =	shalt  }
0x42: {  	_ =	shalt  }
0x43: {  	_ =	shalt  }
0x44: {  	_ =	shalt  }
0x45: {  	_ =	shalt  }
0x46: {  	_ =	shalt  }
0x47: {  	_ =	shalt  }
0x48: {  	_ =	shalt  }
0x49: {  	_ =	shalt  }
0x4a: {  	_ =	shalt  }
0x4b: {  	_ =	shalt  }
0x4c: {  	_ =	shalt  }
0x4d: {  	_ =	shalt  }
0x4e: {  	_ =	shalt  }
0x4f: {  	_ =	shalt  }
0x50: {  	_ =	shalt  }
0x51: {  	_ =	shalt  }
0x52: {  	_ =	shalt  }
0x53: {  	_ =	shalt  }
0x54: {  	_ =	shalt  }
0x55: {  	_ =	shalt  }
0x56: {  	_ =	shalt  }
0x57: {  	_ =	shalt  }
0x58: {  	_ =	shalt  }
0x59: {  	_ =	shalt  }
0x5a: {  	_ =	shalt  }
0x5b: {  	_ =	shalt  }
0x5c: {  	_ =	shalt  }
0x5d: {  	_ =	shalt  }
0x5e: {  	_ =	shalt  }
0x5f: {  	_ =	shalt  }
0x60: {  	_ =	shalt  }
0x61: {  	_ =	shalt  }
0x62: {  	_ =	shalt  }
0x63: {  	_ =	shalt  }
0x64: {  	_ =	shalt  }
0x65: {  	_ =	shalt  }
0x66: {  	_ =	shalt  }
0x67: {  	_ =	shalt  }
0x68: {  	_ =	shalt  }
0x69: {  	_ =	shalt  }
0x6a: {  	_ =	shalt  }
0x6b: {  	_ =	shalt  }
0x6c: {  	_ =	shalt  }
0x6d: {  	_ =	shalt  }
0x6e: {  	_ =	shalt  }
0x6f: {  	_ =	shalt  }
0x70: {  	_ =	shalt  }
0x71: {  	_ =	shalt  }
0x72: {  	_ =	shalt  }
0x73: {  	_ =	shalt  }
0x74: {  	_ =	shalt  }
0x75: {  	_ =	shalt  }
0x76: {  	_ =	shalt  }
0x77: {  	_ =	shalt  }
0x78: {  	_ =	shalt  }
0x79: {  	_ =	shalt  }
0x7a: {  	_ =	shalt  }
0x7b: {  	_ =	shalt  }
0x7c: {  	_ =	shalt  }
0x7d: {  	_ =	shalt  }
0x7e: {  	_ =	shalt  }
0x7f: {  	_ =	shalt  }
0x80: {  	_ =	shalt  }
0x81: {  	_ =	shalt  }
0x82: {  	_ =	shalt  }
0x83: {  	_ =	shalt  }
0x84: {  	_ =	shalt  }
0x85: {  	_ =	shalt  }
0x86: {  	_ =	shalt  }
0x87: {  	_ =	shalt  }
.Lfunc_end0:
.L_simem_size_0:
called_computation.2_lowered:
.L_overlay_start_0:
0x88: {  	s2 =	sld [smem:$0x3FD9]  }
0x89: {  	s3 =	sld [smem:$0x3FFE];
	_ =	sdelay $0x1  }
0x8a: {  	s1 =	srdreg.scid  }
0x8b: {  	s0 =	sand.u32 $0x1, s1  }
0x8c: {  	s17 =	sshll.u32 s0, $0xA;
	s2 =	sadd.s32 s3, s2  }
0x8d: {  	s2 =	sadd.s32 s2, s17  }
0x8e: {  	[smem:$0x3FB0] =	sst s2  }
0x8f: {  	_ = 	snop  }
0x90: {  	s2 =	sld [smem:$0x3FD0];
	(tm) =	ssettm $0x1  }
0x91: {  	s18 =	sld [smem:$0x3FFB];
	_ =	sdelay $0x3  }
0x92: {  	_ =	strace s18  }
0x93: {  	s3 =	sld [smem:$0x3FFC];
	_ =	sdelay $0x3  }
0x94: {  	_ =	strace s3  }
0x95: {  	s3 =	sld [smem:$0x3FFD];
	_ =	sdelay $0x3  }
0x96: {  	_ =	strace s3  }
0x97: {  	_ =	strace $0x8FFFFFFF  }
0x98: {  	s19 =	sld [smem:$0x3FDB];
	_ =	sdelay $0x1  }
0x99: {  	s4 =	simm.s32 $_scs_section_size  }
0x9a: {  	s5 =	simm.s32 $_size__tile_overlayer_lowered;
	s6 =	simm.s32 $_tile_overlayer_lowered  }
0x9b: {  	s22 =	simm.s32 $0x1BFF;
	s21 =	sshll.u32 s6, $0x1;
	s3 =	sadd.s32 s4, s19  }
0x9c: {  	s7 =	simm.s32 $0x0;
	s20 =	sshll.u32 s5, $0x1;
	s5 =	sadd.s32 s21, s3  }
0x9d: {  	[timem:s7], [sflag:s22] =	dma.local [hbm:s5], s20  }
0x9e: {  	_ =	swait.ge [sflag:s22], s20  }
0x9f: {  	s4 =	ssub.s32 $0x0, s20;
	[sflag:s22] =	ssyncset.done $0x0  }
0xa0: {  	[sflag:s22] =	ssyncadd.s32 s4;
	_ =	sdelay $0x1  }
0xa1: {  	s23 =	simm.s32 $0x1B8B  }
0xa2: {  	_ =	swait.ge [sflag:s23], $0x1  }
0xa3: {  	[sflag:s23] =	ssyncset.done $0x0  }
0xa4: {  	s25 =	simm.s32 $0x1B8E;
	s24 =	sld [smem:$0x3FFE];
	[sflag:s23] =	ssyncadd.s32 $0xFFFFFFFF  }
0xa5: {  	s26 =	simm.s32 $execute0_lowered;
	[smem:$0x3FD2] =	sst s25  }
0xa6: {  	s5 =	sshll.u32 s26, $0x1;
	_ =	strace $0x8000004C;
	[dreg:$0x1] =	wrdreg $0xFFFFFFFF  }
0xa7: {  	s28 =	simm.s32 $_size_execute0_lowered;
	s3 =	sadd.s32 s3, s5;
	[dreg:$0x0] =	wrdreg $0x0  }
0xa8: {  	s5 =	sshll.u32 s28, $0x1;
	[dreg:$0x2] =	wrdreg s3  }
0xa9: {  	[dreg:$0x3] =	wrdreg s5  }
0xaa: {  	[dreg:$0x4] =	wrdreg $0xC0  }
0xab: {  	_ =	task [dreg:s7], $0x5FFFF  }
0xac: {  	[dreg:$0x1] =	wrdreg $0xFFFFFFFF  }
0xad: {  	[dreg:$0x0] =	wrdreg $0x60  }
0xae: {  	[dreg:$0x2] =	wrdreg s24  }
0xaf: {  	[dreg:$0x3] =	wrdreg s2  }
0xb0: {  	[dreg:$0x4] =	wrdreg $0xA9000  }
0xb1: {  	[dreg:$0x5] =	wrdreg $0x9  }
0xb2: {  	_ =	task.clear_ibuf [dreg:s7], $0x6FFFF;
	_ =	strace $0x9000004C  }
0xb3: {  	s29 =	simm.s32 $0x9;
	_ =	strace $0x8000004E  }
0xb4: {  	_ =	swait.ge [sflag:s29], $0x1  }
0xb5: {  	[sflag:s29] =	ssyncadd.s32 $0xFFFFFFFF  }
0xb6: {  	_ =	strace $0x9000004E  }
0xb7: {  	_ =	sfence  }
0xb8: {  	s30 =	sld [smem:$0x0];
	_ =	sdelay $0x2  }
0xb9: {  	s31 =	sshll.u32 s1, $0xD;
	s1 =	sshrl.u32 s1, $0x2  }
0xba: {  	s3 =	sand.u32 $0x4000, s31;
	s1 =	sadd.s32 s1, s30  }
0xbb: {  	s0 =	sor.u32 s3, s0;
	s1 =	sshll.u32 s1, $0x11  }
0xbc: {  	s0 =	sor.u32 s1, s0  }
0xbd: {  	s0 =	sadd.s32 $0x8F2B, s0  }
0xbe: {  	[sflag:s0] =	ssyncadd.remote.s32 $0x1  }
0xbf: {  	_ =	sfence.sel $0xFFFF  }
0xc0: {  	[dreg:$0x0] =	wrdreg $0xFFFFFFFF;
	(pc) =	sbr.abs _section_cstart, $3  }
0xc1: {  	[dreg:$0x1] =	wrdreg $0xFFFFFFFF  }
0xc2: {  	_ =	task.clear_ibuf [dreg:s7], $0x2FFFF;
	_ =	strace $0x9FFFFFFF  }
0xc3: {  	(tm) =	ssettm $0x7FFFFFFF  }
tec
execute0_lowered:
.L_overlay_start_1:
0x0: {  	(tag) =	ssettag $0x1  }
0x1: {  	s7 =	rddreg [dreg:$0x0]  }
0x2: {  	s8 =	rddreg [dreg:$0x1]  }
0x3: {  	s2 =	rddreg [dreg:$0x2]  }
0x4: {  	s3 =	simm.s32 $0x0;
	s1 =	stileid.u32;
	s4 =	srdreg.scid  }
0x5: {  	s16 =	simm.s32 $0x80;
	s17 =	simm.s32 $0x2900;
	s18 =	simm.s32 $0x6900  }
0x6: {  	s21 =	simm.s32 $0x1;
	s22 =	simm.s32 $0x3;
	s23 =	simm.s32 $0x2  }
0x7: {  	s24 =	simm.s32 $0x4;
	s25 =	simm.s32 $0x0;
	[smem:$0x7FF] =	sst s3  }
0x8: {  	s6 =	smul.u32 $0x13C00, s1;
	s9 =	sand.u32 $0x1, s4;
	s11 =	sshll.u32 s1, $0x1  }
0x9: {  	s4 =	sadd.s32 $0x35E00, s7;
	s5 =	sadd.s32 $0x4600, s7;
	s14 =	smul.u32 $0x4F000, s1  }
0xa: {  	s19 =	sshll.u32 s1, $0x6;
	_ =	strace $0x8000004D;
	s10 =	smul.u32 $0x13C000, s9  }
0xb: {  	s11 =	sor.u32 s9, s11;
	s9 =	ssub.s32 $0x2, s9;
	s19 =	sor.u32 $0x1C05, s19  }
0xc: {  	s12 =	sshrl.u32 s6, $0x3;
	s30 =	sshrl.u32 s9, $0x1;
	s31 =	sshrl.u32 s14, $0x2  }
0xd: {  	s14 =	simm.s32 $0x2800;
	s10 =	sadd.s32 s6, s10;
	s6 =	smul.u32 $0x2800, s11  }
0xe: {  	s29 =	sadd.s32 s12, s7;
	s12 =	ssub.s32 s9, s30;
	s20 =	sadd.s32 s31, s2  }
0xf: {  	s10 =	sshrl.u32 s10, $0x3;
	s12 =	smax.u32 s12, $0x1;
	s20 =	sshrl.u32 s20, $0x3  }
0x10: {  	s13 =	sshrl.u32 s6, $0x3;
	s15 =	sadd.s32 s10, s7;
	s10 =	sadd.s32 $0xE600, s29  }
0x11: {  	s7 =	sadd.s32 s5, s13;
	s8 =	sadd.s32 s8, s13;
	s11 =	sadd.s32 $0x5D000, s15  }
0x12: {  	s13 =	simm.s32 $0x5;
	s15 =	simm.s32 $0x2880;
	s9 =	sadd.s32 $0x10, s7  }
.LBB2_1:
0x13: {  	[tilespmem:s3], [sflag:$0x5] =	stream.linear.gather [hbm4b:s8+s3], $0x2800, $0x38;
	[tilespmem:$0x1E500] =	vst v63  }
0x14: {  	_ =	swait.ge [sflag:s13], $0x2800  }
0x15: {  	[sflag:s13] =	ssyncset.done $0x0  }
0x16: {  	[sflag:s13] =	ssyncadd.s32 $0xFFFFD800  }
0x17: {  	[tilespmem:s14], [sflag:$0x3] =	stream.linear.gather [hbm4b:s7+s3], $0x80, $0x38;
	[tilespmem:$0x1E500] =	vst v63  }
0x18: {  	_ = 	snop  }
0x19: {  	[tilespmem:s15], [sflag:$0x4] =	stream.linear.gather [hbm4b:s9+s3], $0x80, $0x38;
	[tilespmem:$0x1E500] =	vst v63  }
0x1a: {  	_ = 	snop  }
0x1b: {  	[tilespmem:s17], [sflag:$0x1] =	stream.indirect.gather [hbm4b:s4+s16], $0x80, s3, s16, $0xb8;
	[tilespmem:$0x1E500] =	vst v63  }
0x1c: {  	_ = 	snop  }
0x1d: {  	[tilespmem:s18], [sflag:$0x2] =	stream.indirect.gather [hbm4b:s4+s16], $0x80, s16, s16, $0xb8;
	[tilespmem:$0x1E500] =	vst v63  }
0x1e: {  	[spmem:s20], [sflag:s19] =	dma.local [hbm:s10], $0x2780  }
0x1f: {  	_ =	swait.ge [sflag:s13], $0x2780  }
0x20: {  	[sflag:s13] =	ssyncset.done $0x0  }
0x21: {  	[sflag:s13] =	ssyncadd.s32 $0xFFFFD880  }
0x22: {  	[bflag:$0x0] =	sbarrier.arrive $0xFFFF  }
0x23: {  	_ =	swait.ge [sflag:s21], $0x4000  }
0x24: {  	[sflag:s21] =	ssyncset.done $0x0  }
0x25: {  	[sflag:s21] =	ssyncadd.s32 $0xFFFFC000  }
0x26: {  	s26 =	simm.s32 $0x100;
	_ =	swait.ge [sflag:s22], $0x80  }
0x27: {  	s28 =	sand.u32 $0x7C00, s26;
	[sflag:s22] =	ssyncset.done $0x0  }
0x28: {  	s26 =	sand.u32 $0x300, s26;
	s28 =	sadd.s32 s6, s28;
	[sflag:s22] =	ssyncadd.s32 $0xFFFFFF80  }
0x29: {  	[spmem:s2] =	stream.indirect.scatter.add.f32 [tilespmem:s17], [sflag:$0x5], $0x80, s14, s16, $0xb8;
	[tilespmem:$0x1E500] =	vst v63  }
0x2a: {  	s26 =	sor.u32 s26, s28;
	_ =	swait.ge [sflag:s13], $0x4000  }
0x2b: {  	s26 =	sshrl.u32 s26, $0x3;
	[sflag:s13] =	ssyncset.done $0x0  }
0x2c: {  	s26 =	sadd.s32 s5, s26;
	[sflag:s13] =	ssyncadd.s32 $0xFFFFC000  }
0x2d: {  	[tilespmem:s14], [sflag:$0x3] =	stream.linear.gather [hbm4b:s26+s3], $0x80, $0x38;
	[tilespmem:$0x1E500] =	vst v63  }
0x2e: {  	s30 =	simm.s32 $0x100  }
0x2f: {  	[tilespmem:s17], [sflag:$0x1] =	stream.indirect.gather [hbm4b:s4+s16], $0x80, s30, s16, $0xb8;
	[tilespmem:$0x1E500] =	vst v63  }
0x30: {  	_ =	swait.ge [sflag:s23], $0x4000  }
0x31: {  	[sflag:s23] =	ssyncset.done $0x0  }
0x32: {  	[sflag:s23] =	ssyncadd.s32 $0xFFFFC000  }
0x33: {  	s31 =	simm.s32 $0x180;
	_ =	swait.ge [sflag:s24], $0x80  }
0x34: {  	s28 =	sand.u32 $0x7C00, s31;
	[sflag:s24] =	ssyncset.done $0x0  }
0x35: {  	s28 =	sadd.s32 s6, s28;
	s26 =	sand.u32 $0x380, s31;
	[sflag:s24] =	ssyncadd.s32 $0xFFFFFF80  }
0x36: {  	[spmem:s2] =	stream.indirect.scatter.add.f32 [tilespmem:s18], [sflag:$0x5], $0x80, s15, s16, $0xb8;
	[tilespmem:$0x1E500] =	vst v63  }
0x37: {  	s26 =	sor.u32 s26, s28;
	_ =	swait.ge [sflag:s13], $0x4000  }
0x38: {  	s26 =	sshrl.u32 s26, $0x3;
	[sflag:s13] =	ssyncset.done $0x0  }
0x39: {  	s26 =	sadd.s32 s5, s26;
	[sflag:s13] =	ssyncadd.s32 $0xFFFFC000  }
0x3a: {  	[tilespmem:s15], [sflag:$0x4] =	stream.linear.gather [hbm4b:s26+s3], $0x80, $0x38;
	[tilespmem:$0x1E500] =	vst v63  }
0x3b: {  	s29 =	simm.s32 $0x200;
	s28 =	simm.s32 $0x180;
	s26 =	simm.s32 $0x280  }
.LBB2_2:
0x3c: {  	s30 =	sadd.s32 $0x80, s29  }
0x3d: {  	p0 =	sne.s32 s26, $0x2780;
	s31 =	smov.u32 s26;
	s26 =	sadd.s32 $0x100, s26  }
0x3e: {  	[tilespmem:s18], [sflag:$0x2] =	stream.indirect.gather [hbm4b:s4+s16], $0x80, s28, s16, $0xb8;
	[tilespmem:$0x1E500] =	vst v63  }
0x3f: {  	s28 =	smov.u32 s30;
	_ =	swait.ge [sflag:s21], $0x4000  }
0x40: {  	[sflag:s21] =	ssyncset.done $0x0  }
0x41: {  	[sflag:s21] =	ssyncadd.s32 $0xFFFFC000  }
0x42: {  	_ =	swait.ge [sflag:s22], $0x80  }
0x43: {  	s30 =	sadd.s32 $0xFFFFFF80, s31;
	[sflag:s22] =	ssyncset.done $0x0  }
0x44: {  	s0 =	sand.u32 $0x7C00, s30;
	s30 =	sand.u32 $0x300, s30;
	[sflag:s22] =	ssyncadd.s32 $0xFFFFFF80  }
0x45: {  	[spmem:s2] =	stream.indirect.scatter.add.f32 [tilespmem:s17], [sflag:$0x5], $0x80, s14, s16, $0xb8;
	[tilespmem:$0x1E500] =	vst v63  }
0x46: {  	s0 =	sadd.s32 s6, s0;
	_ =	swait.ge [sflag:s13], $0x4000  }
0x47: {  	s0 =	sor.u32 s30, s0;
	[sflag:s13] =	ssyncset.done $0x0  }
0x48: {  	s0 =	sshrl.u32 s0, $0x3;
	[sflag:s13] =	ssyncadd.s32 $0xFFFFC000  }
0x49: {  	s0 =	sadd.s32 s5, s0  }
0x4a: {  	[tilespmem:s14], [sflag:$0x3] =	stream.linear.gather [hbm4b:s0+s3], $0x80, $0x38;
	[tilespmem:$0x1E500] =	vst v63  }
0x4b: {  	_ = 	snop  }
0x4c: {  	[tilespmem:s17], [sflag:$0x1] =	stream.indirect.gather [hbm4b:s4+s16], $0x80, s29, s16, $0xb8;
	[tilespmem:$0x1E500] =	vst v63  }
0x4d: {  	_ =	swait.ge [sflag:s23], $0x4000  }
0x4e: {  	[sflag:s23] =	ssyncset.done $0x0  }
0x4f: {  	[sflag:s23] =	ssyncadd.s32 $0xFFFFC000  }
0x50: {  	_ =	swait.ge [sflag:s24], $0x80  }
0x51: {  	s0 =	sand.u32 $0x7C00, s31;
	[sflag:s24] =	ssyncset.done $0x0  }
0x52: {  	s30 =	sand.u32 $0x380, s31;
	s0 =	sadd.s32 s6, s0;
	[sflag:s24] =	ssyncadd.s32 $0xFFFFFF80  }
0x53: {  	[spmem:s2] =	stream.indirect.scatter.add.f32 [tilespmem:s18], [sflag:$0x5], $0x80, s15, s16, $0xb8;
	[tilespmem:$0x1E500] =	vst v63  }
.Ltmp0:
0x54: {  	_ = 	snop;
	(pc) =	sbr.rel @p0 .LBB2_2-.Ltmp0, $4  }
0x55: {  	s0 =	sor.u32 s30, s0;
	_ =	swait.ge [sflag:s13], $0x4000  }
0x56: {  	s0 =	sshrl.u32 s0, $0x3;
	[sflag:s13] =	ssyncset.done $0x0  }
0x57: {  	s29 =	sadd.s32 $0x100, s29;
	s0 =	sadd.s32 s5, s0;
	[sflag:s13] =	ssyncadd.s32 $0xFFFFC000  }
0x58: {  	[tilespmem:s15], [sflag:$0x4] =	stream.linear.gather [hbm4b:s0+s3], $0x80, $0x38;
	[tilespmem:$0x1E500] =	vst v63  }
0x59: {  	[tilespmem:s18], [sflag:$0x2] =	stream.indirect.gather [hbm4b:s4+s16], $0x80, s28, s16, $0xb8;
	[tilespmem:$0x1E500] =	vst v63  }
0x5a: {  	_ =	swait.ge [sflag:s21], $0x4000  }
0x5b: {  	[sflag:s21] =	ssyncset.done $0x0  }
0x5c: {  	[sflag:s21] =	ssyncadd.s32 $0xFFFFC000  }
0x5d: {  	_ =	swait.ge [sflag:s22], $0x80  }
0x5e: {  	[sflag:s22] =	ssyncset.done $0x0  }
0x5f: {  	[sflag:s22] =	ssyncadd.s32 $0xFFFFFF80  }
0x60: {  	[spmem:s2] =	stream.indirect.scatter.add.f32 [tilespmem:s17], [sflag:$0x5], $0x80, s14, s16, $0xb8;
	[tilespmem:$0x1E500] =	vst v63  }
0x61: {  	_ =	swait.ge [sflag:s13], $0x4000  }
0x62: {  	[sflag:s13] =	ssyncset.done $0x0  }
0x63: {  	[sflag:s13] =	ssyncadd.s32 $0xFFFFC000  }
0x64: {  	_ =	swait.ge [sflag:s23], $0x4000  }
0x65: {  	[sflag:s23] =	ssyncset.done $0x0  }
0x66: {  	[sflag:s23] =	ssyncadd.s32 $0xFFFFC000  }
0x67: {  	_ =	swait.ge [sflag:s24], $0x80  }
0x68: {  	[sflag:s24] =	ssyncset.done $0x0  }
0x69: {  	[sflag:s24] =	ssyncadd.s32 $0xFFFFFF80  }
0x6a: {  	[spmem:s2] =	stream.indirect.scatter.add.f32 [tilespmem:s18], [sflag:$0x5], $0x80, s15, s16, $0xb8;
	[tilespmem:$0x1E500] =	vst v63  }
0x6b: {  	_ =	swait.ge [sflag:s13], $0x4000  }
0x6c: {  	s25 =	sadd.s32 $0x1, s25;
	[sflag:s13] =	ssyncset.done $0x0  }
0x6d: {  	p0 =	sne.s32 s25, s12;
	[sflag:s13] =	ssyncadd.s32 $0xFFFFC000  }
.Ltmp1:
0x6e: {  	[bflag:$0x0] =	sbarrier.arrive $0xFFFF;
	(pc) =	sbr.rel @p0 .LBB2_1-.Ltmp1, $4  }
0x6f: {  	[hbm:s11], [sflag:s19] =	dma.local [spmem:s20], $0x2780  }
0x70: {  	_ =	swait.ge [sflag:s13], $0x2780  }
0x71: {  	[sflag:s13] =	ssyncset.done $0x0  }
0x72: {  	[sflag:s13] =	ssyncadd.s32 $0xFFFFD880  }
0x73: {  	_ =	sfence.sel $0x180000  }
0x74: {  	[bflag:$0x0] =	sbarrier.arrive $0xFFFF  }
0x75: {  	_ =	strace $0x9000004D  }
0x76: {  	[bflag:$0x2] =	sbarrier.arrive $0xFFFF  }
0x77: {  	p0 =	sne.s32 s1, $0x0;
	s0 =	rddreg [dreg:$0x3]  }
0x78: {  	s0 =	sadd.s32 @!p0 $0x100000, s0  }
0x79: {  	[sflag:s0] =	ssyncadd.tile.s32 @!p0 $0x1;
	_ =	shalt  }
.Lfunc_end2:
_tile_overlayer_lowered:
.L_overlay_start_2:
0x7a: {  	(tag) =	ssettag $0x2  }
0x7b: {  	s0 =	rddreg [dreg:$0x0];
	s2 =	stileid.u32  }
0x7c: {  	s1 =	rddreg [dreg:$0x1];
	p0 =	sne.s32 s2, $0x0  }
0x7d: {  	s3 =	rddreg [dreg:$0x2];
	[bflag:$0x3] =	sbarrier.arrive $0xFFFF;
	s2 =	simm.s32 @!p0 $0x1C05  }
0x7e: {  	[timem:s3], [sflag:s2] =	dma.local @!p0 [hbm:s0], s1  }
0x7f: {  	s0 =	simm.s32 @!p0 $0x5  }
0x80: {  	_ =	swait.ge @!p0 [sflag:s0], s1  }
0x81: {  	s1 =	ssub.s32 @!p0 $0x0, s1;
	[sflag:s0] =	ssyncset.done @!p0 $0x0  }
0x82: {  	[sflag:s0] =	ssyncadd.s32 @!p0 s1  }
0x83: {  	[bflag:$0x3] =	sbarrier.arrive $0xFFFF  }
0x84: {  	_ =	shalt  }

// kernel: kernel.9.cloned.1.call-start
scs
__scs_entry_jumppad:
0x0: {  	(pc) =	sbr.rel $0x88, $3  }
0x1: {  	(tag) =	ssettag $0x0;
	lr =	simm.s32 $0x1  }
0x2: {  	[smem:$0x3F89] =	sst lr;
	_ =	strace $0xD0000000  }
0x3: {  	_ = 	snop  }
0x4: {  	_ = 	snop  }
0x5: {  	_ = 	snop  }
0x6: {  	_ = 	snop  }
0x7: {  	_ = 	snop  }
__scs_overlays_trampoline_lowered:
0x8: {  	[smem:$0x3F98] =	sst s0  }
0x9: {  	[smem:$0x3F99] =	sst s1  }
0xa: {  	[smem:$0x3F9A] =	sst s2  }
0xb: {  	[smem:$0x3F9B] =	sst s3  }
0xc: {  	[smem:$0x3F9C] =	sst s4  }
0xd: {  	[smem:$0x3F9D] =	sst s5  }
0xe: {  	[smem:$0x3F9E] =	sst s6  }
0xf: {  	[smem:$0x3F9F] =	sst s7  }
0x10: {  	[smem:$0x3FA0] =	sst s8  }
0x11: {  	[smem:$0x3FA1] =	sst s9;
	s0 =	simm.s32 @!p0 $0x0  }
0x12: {  	s1 =	sld [smem:$0x3F87];
	s0 =	simm.s32 @p0 $0x1  }
0x13: {  	[smem:$0x3FA2] =	sst s0;
	s0 =	simm.s32 @!p1 $0x0  }
0x14: {  	s2 =	sld [smem:$0x3F86];
	s0 =	simm.s32 @p1 $0x1  }
0x15: {  	[smem:$0x3FA3] =	sst s0;
	s0 =	simm.s32 @!p2 $0x0  }
0x16: {  	s3 =	sld [smem:$0x3FDB];
	s0 =	simm.s32 @p2 $0x1  }
0x17: {  	s4 =	simm.s32 $0x1BF5;
	[smem:$0x3FA5] =	sst s0  }
0x18: {  	s0 =	sld [smem:$0x3F88];
	_ =	swait.ge [sflag:s4], $0x0  }
0x19: {  	s7 =	sld [smem:$0x3F89]  }
0x1a: {  	s8 =	sadd.s32 $0xFFFFE003, lr  }
0x1b: {  	s9 =	sadd.s32 $0xFFFFFEF7, lr;
	s5 =	simm.s32 $0xFFFFFFFF;
	p2 =	slt.u32 s8, $0xFFFFF086  }
0x1c: {  	p1 =	slt.u32 s9, $0xF7A;
	s5 =	simm.s32 @!p2 $0x0  }
0x1d: {  	s5 =	simm.s32 @p1 $0x1;
	p0 =	seq.s32 s7, s2  }
0x1e: {  	s7 =	smul.u32 @!p0 $0xF7A, s2;
	p2 =	seq.s32 @!p0 s5, $0x0  }
0x1f: {  	s9 =	smul.u32 $0xF7A, s1;
	s8 =	simm.s32 @!p0 $0x1BF5;
	p2 =	por !p2, p0  }
0x20: {  	[sflag:s8] =	ssyncset.s32 @!p0 $0xFFFFF086;
	s6 =	sadd.s32 @!p0 s3, s7;
	s7 =	simm.s32 @!p0 $0x108  }
0x21: {  	s3 =	sadd.s32 s3, s9;
	s6 =	sadd.s32 @!p0 $0x88, s6;
	s7 =	simm.s32 @p2 $0x1082  }
0x22: {  	[simem:s7], [sflag:s8] =	dma.local @!p0 [hbm:s6], $0xF7A  }
0x23: {  	s9 =	sor.u32 $0xD0000000, s2;
	s6 =	simm.s32 $0x108;
	_ =	swait.ge @!p0 [sflag:s8], $0x0  }
0x24: {  	s3 =	sadd.s32 $0x88, s3;
	s6 =	simm.s32 @!p1 $0x1082;
	[sflag:s4] =	ssyncset.s32 $0xFFFFF086  }
0x25: {  	[simem:s6], [sflag:s4] =	dma.local [hbm:s3], $0xF7A  }
0x26: {  	[smem:$0x3F89] =	sst s1;
	(tag) =	ssettag s2;
	_ =	strace s9  }
0x27: {  	s1 =	sld [smem:$0x3F99]  }
0x28: {  	s2 =	sld [smem:$0x3F9A]  }
0x29: {  	s4 =	sld [smem:$0x3F9C]  }
0x2a: {  	p0 =	seq.s32 s5, $0x0;
	s5 =	sld [smem:$0x3F9D]  }
0x2b: {  	s6 =	sld [smem:$0x3F9E]  }
0x2c: {  	s7 =	sld [smem:$0x3F9F]  }
0x2d: {  	s3 =	simm.s32 $0x108;
	s8 =	sld [smem:$0x3FA0]  }
0x2e: {  	s3 =	simm.s32 @!p0 $0x1082;
	s9 =	sld [smem:$0x3FA1]  }
0x2f: {  	lr =	sadd.s32 s0, s3;
	s0 =	sld [smem:$0x3F98]  }
0x30: {  	s3 =	sld [smem:$0x3F9B]  }
0x31: {  	[smem:$0x3FA4] =	sst s10  }
0x32: {  	s10 =	sld [smem:$0x3FA2];
	_ =	sdelay $0x3  }
0x33: {  	p0 =	seq.s32 s10, $0x1;
	s10 =	sld [smem:$0x3FA4];
	_ =	sdelay $0x3  }
0x34: {  	[smem:$0x3FA4] =	sst s10  }
0x35: {  	s10 =	sld [smem:$0x3FA3];
	_ =	sdelay $0x3  }
0x36: {  	p1 =	seq.s32 s10, $0x1;
	s10 =	sld [smem:$0x3FA4];
	_ =	sdelay $0x3  }
0x37: {  	[smem:$0x3FA4] =	sst s10  }
0x38: {  	s10 =	sld [smem:$0x3FA5]  }
0x39: {  	_ = 	snop;
	(pc) =	sbr.ind lr, $3  }
0x3a: {  	_ = 	snop  }
0x3b: {  	_ = 	snop  }
0x3c: {  	p2 =	seq.s32 s10, $0x1;
	s10 =	sld [smem:$0x3FA4]  }
0x3d: {  	_ =	shalt  }
0x3e: {  	_ =	shalt  }
0x3f: {  	_ =	shalt  }
0x40: {  	_ =	shalt  }
0x41: {  	_ =	shalt  }
0x42: {  	_ =	shalt  }
0x43: {  	_ =	shalt  }
0x44: {  	_ =	shalt  }
0x45: {  	_ =	shalt  }
0x46: {  	_ =	shalt  }
0x47: {  	_ =	shalt  }
0x48: {  	_ =	shalt  }
0x49: {  	_ =	shalt  }
0x4a: {  	_ =	shalt  }
0x4b: {  	_ =	shalt  }
0x4c: {  	_ =	shalt  }
0x4d: {  	_ =	shalt  }
0x4e: {  	_ =	shalt  }
0x4f: {  	_ =	shalt  }
0x50: {  	_ =	shalt  }
0x51: {  	_ =	shalt  }
0x52: {  	_ =	shalt  }
0x53: {  	_ =	shalt  }
0x54: {  	_ =	shalt  }
0x55: {  	_ =	shalt  }
0x56: {  	_ =	shalt  }
0x57: {  	_ =	shalt  }
0x58: {  	_ =	shalt  }
0x59: {  	_ =	shalt  }
0x5a: {  	_ =	shalt  }
0x5b: {  	_ =	shalt  }
0x5c: {  	_ =	shalt  }
0x5d: {  	_ =	shalt  }
0x5e: {  	_ =	shalt  }
0x5f: {  	_ =	shalt  }
0x60: {  	_ =	shalt  }
0x61: {  	_ =	shalt  }
0x62: {  	_ =	shalt  }
0x63: {  	_ =	shalt  }
0x64: {  	_ =	shalt  }
0x65: {  	_ =	shalt  }
0x66: {  	_ =	shalt  }
0x67: {  	_ =	shalt  }
0x68: {  	_ =	shalt  }
0x69: {  	_ =	shalt  }
0x6a: {  	_ =	shalt  }
0x6b: {  	_ =	shalt  }
0x6c: {  	_ =	shalt  }
0x6d: {  	_ =	shalt  }
0x6e: {  	_ =	shalt  }
0x6f: {  	_ =	shalt  }
0x70: {  	_ =	shalt  }
0x71: {  	_ =	shalt  }
0x72: {  	_ =	shalt  }
0x73: {  	_ =	shalt  }
0x74: {  	_ =	shalt  }
0x75: {  	_ =	shalt  }
0x76: {  	_ =	shalt  }
0x77: {  	_ =	shalt  }
0x78: {  	_ =	shalt  }
0x79: {  	_ =	shalt  }
0x7a: {  	_ =	shalt  }
0x7b: {  	_ =	shalt  }
0x7c: {  	_ =	shalt  }
0x7d: {  	_ =	shalt  }
0x7e: {  	_ =	shalt  }
0x7f: {  	_ =	shalt  }
0x80: {  	_ =	shalt  }
0x81: {  	_ =	shalt  }
0x82: {  	_ =	shalt  }
0x83: {  	_ =	shalt  }
0x84: {  	_ =	shalt  }
0x85: {  	_ =	shalt  }
0x86: {  	_ =	shalt  }
0x87: {  	_ =	shalt  }
.Lfunc_end0:
.L_simem_size_0:
called_computation_lowered:
.L_overlay_start_0:
0x88: {  	s2 =	sld [smem:$0x3FD9]  }
0x89: {  	s3 =	sld [smem:$0x3FFE];
	_ =	sdelay $0x1  }
0x8a: {  	s1 =	srdreg.scid  }
0x8b: {  	s0 =	sand.u32 $0x1, s1  }
0x8c: {  	s17 =	sshll.u32 s0, $0xA;
	s2 =	sadd.s32 s3, s2  }
0x8d: {  	s2 =	sadd.s32 s2, s17  }
0x8e: {  	[smem:$0x3FB0] =	sst s2  }
0x8f: {  	_ = 	snop  }
0x90: {  	s2 =	sld [smem:$0x3FC9]  }
0x91: {  	s18 =	sld [smem:$0x3FD0];
	(tm) =	ssettm $0x1  }
0x92: {  	s4 =	sld [smem:$0x3FFB];
	_ =	sdelay $0x3  }
0x93: {  	_ =	strace s4  }
0x94: {  	s4 =	sld [smem:$0x3FFC];
	_ =	sdelay $0x3  }
0x95: {  	_ =	strace s4  }
0x96: {  	s4 =	sld [smem:$0x3FFD];
	_ =	sdelay $0x3  }
0x97: {  	_ =	strace s4  }
0x98: {  	_ =	strace $0x8FFFFFFF  }
0x99: {  	s19 =	sld [smem:$0x3FDB];
	_ =	sdelay $0x1  }
0x9a: {  	s5 =	simm.s32 $_scs_section_size  }
0x9b: {  	s6 =	simm.s32 $_size__tile_overlayer_lowered;
	s7 =	simm.s32 $_tile_overlayer_lowered  }
0x9c: {  	s22 =	simm.s32 $0x1BFF;
	s21 =	sshll.u32 s7, $0x1;
	s4 =	sadd.s32 s5, s19  }
0x9d: {  	s8 =	simm.s32 $0x0;
	s20 =	sshll.u32 s6, $0x1;
	s6 =	sadd.s32 s21, s4  }
0x9e: {  	[timem:s8], [sflag:s22] =	dma.local [hbm:s6], s20  }
0x9f: {  	_ =	swait.ge [sflag:s22], s20  }
0xa0: {  	s5 =	ssub.s32 $0x0, s20;
	[sflag:s22] =	ssyncset.done $0x0  }
0xa1: {  	[sflag:s22] =	ssyncadd.s32 s5;
	_ =	sdelay $0x1  }
0xa2: {  	s23 =	simm.s32 $0x1B8B  }
0xa3: {  	_ =	swait.ge [sflag:s23], $0x1  }
0xa4: {  	[sflag:s23] =	ssyncset.done $0x0  }
0xa5: {  	s25 =	simm.s32 $0x1B8E;
	s24 =	sld [smem:$0x3FFE];
	[sflag:s23] =	ssyncadd.s32 $0xFFFFFFFF  }
0xa6: {  	s26 =	simm.s32 $execute0_lowered;
	[smem:$0x3FD2] =	sst s25  }
0xa7: {  	s6 =	sshll.u32 s26, $0x1;
	_ =	strace $0x80000046;
	[dreg:$0x1] =	wrdreg $0xFFFFFFFF  }
0xa8: {  	s28 =	simm.s32 $_size_execute0_lowered;
	s4 =	sadd.s32 s4, s6;
	[dreg:$0x0] =	wrdreg $0x0  }
0xa9: {  	s6 =	sshll.u32 s28, $0x1;
	[dreg:$0x2] =	wrdreg s4  }
0xaa: {  	[dreg:$0x3] =	wrdreg s6  }
0xab: {  	[dreg:$0x4] =	wrdreg $0xC0  }
0xac: {  	_ =	task [dreg:s8], $0x5FFFF  }
0xad: {  	[dreg:$0x1] =	wrdreg $0xFFFFFFFF  }
0xae: {  	[dreg:$0x0] =	wrdreg $0x60  }
0xaf: {  	[dreg:$0x2] =	wrdreg s2  }
0xb0: {  	[dreg:$0x3] =	wrdreg s18  }
0xb1: {  	[dreg:$0x4] =	wrdreg s24  }
0xb2: {  	[dreg:$0x5] =	wrdreg $0xA9000  }
0xb3: {  	[dreg:$0x6] =	wrdreg $0x9  }
0xb4: {  	_ =	task.clear_ibuf [dreg:s8], $0x7FFFF;
	_ =	strace $0x90000046  }
0xb5: {  	s29 =	simm.s32 $0x9;
	_ =	strace $0x80000048  }
0xb6: {  	_ =	swait.ge [sflag:s29], $0x1  }
0xb7: {  	[sflag:s29] =	ssyncadd.s32 $0xFFFFFFFF  }
0xb8: {  	_ =	strace $0x90000048  }
0xb9: {  	_ =	sfence  }
0xba: {  	s30 =	sld [smem:$0x0];
	_ =	sdelay $0x2  }
0xbb: {  	s31 =	sshll.u32 s1, $0xD;
	s1 =	sshrl.u32 s1, $0x2  }
0xbc: {  	s3 =	sand.u32 $0x4000, s31;
	s1 =	sadd.s32 s1, s30  }
0xbd: {  	s0 =	sor.u32 s3, s0;
	s1 =	sshll.u32 s1, $0x11  }
0xbe: {  	s0 =	sor.u32 s1, s0  }
0xbf: {  	s0 =	sadd.s32 $0x8F2B, s0  }
0xc0: {  	[sflag:s0] =	ssyncadd.remote.s32 $0x1  }
0xc1: {  	_ =	sfence.sel $0xFFFF  }
0xc2: {  	[dreg:$0x0] =	wrdreg $0xFFFFFFFF;
	(pc) =	sbr.abs _section_cstart, $3  }
0xc3: {  	[dreg:$0x1] =	wrdreg $0xFFFFFFFF  }
0xc4: {  	_ =	task.clear_ibuf [dreg:s8], $0x2FFFF;
	_ =	strace $0x9FFFFFFF  }
0xc5: {  	(tm) =	ssettm $0x7FFFFFFF  }
tec
execute0_lowered:
.L_overlay_start_1:
0x0: {  	(tag) =	ssettag $0x1  }
0x1: {  	s1 =	rddreg [dreg:$0x0]  }
0x2: {  	s8 =	rddreg [dreg:$0x1]  }
0x3: {  	s7 =	rddreg [dreg:$0x2]  }
0x4: {  	s3 =	rddreg [dreg:$0x3]  }
0x5: {  	s2 =	stileid.u32;
	s5 =	srdreg.scid  }
0x6: {  	s4 =	simm.s32 $0x0;
	s16 =	simm.s32 $0x80;
	s17 =	simm.s32 $0x2900  }
0x7: {  	s18 =	simm.s32 $0x6900;
	s21 =	simm.s32 $0x1;
	s22 =	simm.s32 $0x3  }
0x8: {  	s23 =	simm.s32 $0x2;
	s24 =	simm.s32 $0x4;
	s25 =	simm.s32 $0x0  }
0x9: {  	s6 =	smul.u32 $0x13C00, s2;
	s9 =	sand.u32 $0x1, s5;
	[smem:$0x7FF] =	sst s4  }
0xa: {  	s11 =	sshll.u32 s2, $0x1;
	s5 =	sadd.s32 $0x4600, s7;
	s14 =	smul.u32 $0x4F000, s2  }
0xb: {  	s19 =	sshll.u32 s2, $0x6;
	s10 =	smul.u32 $0x13C000, s9;
	_ =	strace $0x80000047  }
0xc: {  	s11 =	sor.u32 s9, s11;
	s9 =	ssub.s32 $0x2, s9;
	s19 =	sor.u32 $0x1C05, s19  }
0xd: {  	s12 =	sshrl.u32 s6, $0x3;
	s30 =	sshrl.u32 s9, $0x1;
	s31 =	sshrl.u32 s14, $0x2  }
0xe: {  	s14 =	simm.s32 $0x2800;
	s10 =	sadd.s32 s6, s10;
	s6 =	smul.u32 $0x2800, s11  }
0xf: {  	s29 =	sadd.s32 s12, s7;
	s12 =	ssub.s32 s9, s30;
	s20 =	sadd.s32 s31, s3  }
0x10: {  	s10 =	sshrl.u32 s10, $0x3;
	s12 =	smax.u32 s12, $0x1;
	s20 =	sshrl.u32 s20, $0x3  }
0x11: {  	s13 =	sshrl.u32 s6, $0x3;
	s15 =	sadd.s32 s10, s7;
	s10 =	sadd.s32 $0xE600, s29  }
0x12: {  	s7 =	sadd.s32 s5, s13;
	s8 =	sadd.s32 s8, s13;
	s11 =	sadd.s32 $0x35E00, s15  }
0x13: {  	s13 =	simm.s32 $0x5;
	s15 =	simm.s32 $0x2880;
	s9 =	sadd.s32 $0x10, s7  }
.LBB2_1:
0x14: {  	[tilespmem:s4], [sflag:$0x5] =	stream.linear.gather [hbm4b:s8+s4], $0x2800, $0x38;
	[tilespmem:$0x1E500] =	vst v63  }
0x15: {  	_ =	swait.ge [sflag:s13], $0x2800  }
0x16: {  	[sflag:s13] =	ssyncset.done $0x0  }
0x17: {  	[sflag:s13] =	ssyncadd.s32 $0xFFFFD800  }
0x18: {  	[tilespmem:s14], [sflag:$0x3] =	stream.linear.gather [hbm4b:s7+s4], $0x80, $0x38;
	[tilespmem:$0x1E500] =	vst v63  }
0x19: {  	_ = 	snop  }
0x1a: {  	[tilespmem:s15], [sflag:$0x4] =	stream.linear.gather [hbm4b:s9+s4], $0x80, $0x38;
	[tilespmem:$0x1E500] =	vst v63  }
0x1b: {  	_ = 	snop  }
0x1c: {  	[tilespmem:s17], [sflag:$0x1] =	stream.indirect.gather [hbm4b:s1+s16], $0x80, s4, s16, $0xb8;
	[tilespmem:$0x1E500] =	vst v63  }
0x1d: {  	_ = 	snop  }
0x1e: {  	[tilespmem:s18], [sflag:$0x2] =	stream.indirect.gather [hbm4b:s1+s16], $0x80, s16, s16, $0xb8;
	[tilespmem:$0x1E500] =	vst v63  }
0x1f: {  	[spmem:s20], [sflag:s19] =	dma.local [hbm:s10], $0x2780  }
0x20: {  	_ =	swait.ge [sflag:s13], $0x2780  }
0x21: {  	[sflag:s13] =	ssyncset.done $0x0  }
0x22: {  	[sflag:s13] =	ssyncadd.s32 $0xFFFFD880  }
0x23: {  	[bflag:$0x0] =	sbarrier.arrive $0xFFFF  }
0x24: {  	_ =	swait.ge [sflag:s21], $0x4000  }
0x25: {  	[sflag:s21] =	ssyncset.done $0x0  }
0x26: {  	[sflag:s21] =	ssyncadd.s32 $0xFFFFC000  }
0x27: {  	s26 =	simm.s32 $0x100;
	_ =	swait.ge [sflag:s22], $0x80  }
0x28: {  	s28 =	sand.u32 $0x7C00, s26;
	[sflag:s22] =	ssyncset.done $0x0  }
0x29: {  	s26 =	sand.u32 $0x300, s26;
	s28 =	sadd.s32 s6, s28;
	[sflag:s22] =	ssyncadd.s32 $0xFFFFFF80  }
0x2a: {  	[spmem:s3] =	stream.indirect.scatter.add.f32 [tilespmem:s17], [sflag:$0x5], $0x80, s14, s16, $0xb8;
	[tilespmem:$0x1E500] =	vst v63  }
0x2b: {  	s26 =	sor.u32 s26, s28;
	_ =	swait.ge [sflag:s13], $0x4000  }
0x2c: {  	s26 =	sshrl.u32 s26, $0x3;
	[sflag:s13] =	ssyncset.done $0x0  }
0x2d: {  	s26 =	sadd.s32 s5, s26;
	[sflag:s13] =	ssyncadd.s32 $0xFFFFC000  }
0x2e: {  	[tilespmem:s14], [sflag:$0x3] =	stream.linear.gather [hbm4b:s26+s4], $0x80, $0x38;
	[tilespmem:$0x1E500] =	vst v63  }
0x2f: {  	s30 =	simm.s32 $0x100  }
0x30: {  	[tilespmem:s17], [sflag:$0x1] =	stream.indirect.gather [hbm4b:s1+s16], $0x80, s30, s16, $0xb8;
	[tilespmem:$0x1E500] =	vst v63  }
0x31: {  	_ =	swait.ge [sflag:s23], $0x4000  }
0x32: {  	[sflag:s23] =	ssyncset.done $0x0  }
0x33: {  	[sflag:s23] =	ssyncadd.s32 $0xFFFFC000  }
0x34: {  	s31 =	simm.s32 $0x180;
	_ =	swait.ge [sflag:s24], $0x80  }
0x35: {  	s28 =	sand.u32 $0x7C00, s31;
	[sflag:s24] =	ssyncset.done $0x0  }
0x36: {  	s28 =	sadd.s32 s6, s28;
	s26 =	sand.u32 $0x380, s31;
	[sflag:s24] =	ssyncadd.s32 $0xFFFFFF80  }
0x37: {  	[spmem:s3] =	stream.indirect.scatter.add.f32 [tilespmem:s18], [sflag:$0x5], $0x80, s15, s16, $0xb8;
	[tilespmem:$0x1E500] =	vst v63  }
0x38: {  	s26 =	sor.u32 s26, s28;
	_ =	swait.ge [sflag:s13], $0x4000  }
0x39: {  	s26 =	sshrl.u32 s26, $0x3;
	[sflag:s13] =	ssyncset.done $0x0  }
0x3a: {  	s26 =	sadd.s32 s5, s26;
	[sflag:s13] =	ssyncadd.s32 $0xFFFFC000  }
0x3b: {  	[tilespmem:s15], [sflag:$0x4] =	stream.linear.gather [hbm4b:s26+s4], $0x80, $0x38;
	[tilespmem:$0x1E500] =	vst v63  }
0x3c: {  	s29 =	simm.s32 $0x200;
	s28 =	simm.s32 $0x180;
	s26 =	simm.s32 $0x280  }
.LBB2_2:
0x3d: {  	s30 =	sadd.s32 $0x80, s29  }
0x3e: {  	p0 =	sne.s32 s26, $0x2780;
	s31 =	smov.u32 s26;
	s26 =	sadd.s32 $0x100, s26  }
0x3f: {  	[tilespmem:s18], [sflag:$0x2] =	stream.indirect.gather [hbm4b:s1+s16], $0x80, s28, s16, $0xb8;
	[tilespmem:$0x1E500] =	vst v63  }
0x40: {  	s28 =	smov.u32 s30;
	_ =	swait.ge [sflag:s21], $0x4000  }
0x41: {  	[sflag:s21] =	ssyncset.done $0x0  }
0x42: {  	[sflag:s21] =	ssyncadd.s32 $0xFFFFC000  }
0x43: {  	_ =	swait.ge [sflag:s22], $0x80  }
0x44: {  	s30 =	sadd.s32 $0xFFFFFF80, s31;
	[sflag:s22] =	ssyncset.done $0x0  }
0x45: {  	s0 =	sand.u32 $0x7C00, s30;
	s30 =	sand.u32 $0x300, s30;
	[sflag:s22] =	ssyncadd.s32 $0xFFFFFF80  }
0x46: {  	[spmem:s3] =	stream.indirect.scatter.add.f32 [tilespmem:s17], [sflag:$0x5], $0x80, s14, s16, $0xb8;
	[tilespmem:$0x1E500] =	vst v63  }
0x47: {  	s0 =	sadd.s32 s6, s0;
	_ =	swait.ge [sflag:s13], $0x4000  }
0x48: {  	s0 =	sor.u32 s30, s0;
	[sflag:s13] =	ssyncset.done $0x0  }
0x49: {  	s0 =	sshrl.u32 s0, $0x3;
	[sflag:s13] =	ssyncadd.s32 $0xFFFFC000  }
0x4a: {  	s0 =	sadd.s32 s5, s0  }
0x4b: {  	[tilespmem:s14], [sflag:$0x3] =	stream.linear.gather [hbm4b:s0+s4], $0x80, $0x38;
	[tilespmem:$0x1E500] =	vst v63  }
0x4c: {  	_ = 	snop  }
0x4d: {  	[tilespmem:s17], [sflag:$0x1] =	stream.indirect.gather [hbm4b:s1+s16], $0x80, s29, s16, $0xb8;
	[tilespmem:$0x1E500] =	vst v63  }
0x4e: {  	_ =	swait.ge [sflag:s23], $0x4000  }
0x4f: {  	[sflag:s23] =	ssyncset.done $0x0  }
0x50: {  	[sflag:s23] =	ssyncadd.s32 $0xFFFFC000  }
0x51: {  	_ =	swait.ge [sflag:s24], $0x80  }
0x52: {  	s0 =	sand.u32 $0x7C00, s31;
	[sflag:s24] =	ssyncset.done $0x0  }
0x53: {  	s30 =	sand.u32 $0x380, s31;
	s0 =	sadd.s32 s6, s0;
	[sflag:s24] =	ssyncadd.s32 $0xFFFFFF80  }
0x54: {  	[spmem:s3] =	stream.indirect.scatter.add.f32 [tilespmem:s18], [sflag:$0x5], $0x80, s15, s16, $0xb8;
	[tilespmem:$0x1E500] =	vst v63  }
.Ltmp0:
0x55: {  	_ = 	snop;
	(pc) =	sbr.rel @p0 .LBB2_2-.Ltmp0, $4  }
0x56: {  	s0 =	sor.u32 s30, s0;
	_ =	swait.ge [sflag:s13], $0x4000  }
0x57: {  	s0 =	sshrl.u32 s0, $0x3;
	[sflag:s13] =	ssyncset.done $0x0  }
0x58: {  	s29 =	sadd.s32 $0x100, s29;
	s0 =	sadd.s32 s5, s0;
	[sflag:s13] =	ssyncadd.s32 $0xFFFFC000  }
0x59: {  	[tilespmem:s15], [sflag:$0x4] =	stream.linear.gather [hbm4b:s0+s4], $0x80, $0x38;
	[tilespmem:$0x1E500] =	vst v63  }
0x5a: {  	[tilespmem:s18], [sflag:$0x2] =	stream.indirect.gather [hbm4b:s1+s16], $0x80, s28, s16, $0xb8;
	[tilespmem:$0x1E500] =	vst v63  }
0x5b: {  	_ =	swait.ge [sflag:s21], $0x4000  }
0x5c: {  	[sflag:s21] =	ssyncset.done $0x0  }
0x5d: {  	[sflag:s21] =	ssyncadd.s32 $0xFFFFC000  }
0x5e: {  	_ =	swait.ge [sflag:s22], $0x80  }
0x5f: {  	[sflag:s22] =	ssyncset.done $0x0  }
0x60: {  	[sflag:s22] =	ssyncadd.s32 $0xFFFFFF80  }
0x61: {  	[spmem:s3] =	stream.indirect.scatter.add.f32 [tilespmem:s17], [sflag:$0x5], $0x80, s14, s16, $0xb8;
	[tilespmem:$0x1E500] =	vst v63  }
0x62: {  	_ =	swait.ge [sflag:s13], $0x4000  }
0x63: {  	[sflag:s13] =	ssyncset.done $0x0  }
0x64: {  	[sflag:s13] =	ssyncadd.s32 $0xFFFFC000  }
0x65: {  	_ =	swait.ge [sflag:s23], $0x4000  }
0x66: {  	[sflag:s23] =	ssyncset.done $0x0  }
0x67: {  	[sflag:s23] =	ssyncadd.s32 $0xFFFFC000  }
0x68: {  	_ =	swait.ge [sflag:s24], $0x80  }
0x69: {  	[sflag:s24] =	ssyncset.done $0x0  }
0x6a: {  	[sflag:s24] =	ssyncadd.s32 $0xFFFFFF80  }
0x6b: {  	[spmem:s3] =	stream.indirect.scatter.add.f32 [tilespmem:s18], [sflag:$0x5], $0x80, s15, s16, $0xb8;
	[tilespmem:$0x1E500] =	vst v63  }
0x6c: {  	_ =	swait.ge [sflag:s13], $0x4000  }
0x6d: {  	s25 =	sadd.s32 $0x1, s25;
	[sflag:s13] =	ssyncset.done $0x0  }
0x6e: {  	p0 =	sne.s32 s25, s12;
	[sflag:s13] =	ssyncadd.s32 $0xFFFFC000  }
.Ltmp1:
0x6f: {  	[bflag:$0x0] =	sbarrier.arrive $0xFFFF;
	(pc) =	sbr.rel @p0 .LBB2_1-.Ltmp1, $4  }
0x70: {  	[hbm:s11], [sflag:s19] =	dma.local [spmem:s20], $0x2780  }
0x71: {  	_ =	swait.ge [sflag:s13], $0x2780  }
0x72: {  	[sflag:s13] =	ssyncset.done $0x0  }
0x73: {  	[sflag:s13] =	ssyncadd.s32 $0xFFFFD880  }
0x74: {  	_ =	sfence.sel $0x180000  }
0x75: {  	[bflag:$0x0] =	sbarrier.arrive $0xFFFF  }
0x76: {  	_ =	strace $0x90000047  }
0x77: {  	[bflag:$0x2] =	sbarrier.arrive $0xFFFF  }
0x78: {  	p0 =	sne.s32 s2, $0x0;
	s0 =	rddreg [dreg:$0x4]  }
0x79: {  	s0 =	sadd.s32 @!p0 $0x100000, s0  }
0x7a: {  	[sflag:s0] =	ssyncadd.tile.s32 @!p0 $0x1;
	_ =	shalt  }
.Lfunc_end2:
_tile_overlayer_lowered:
.L_overlay_start_2:
0x7b: {  	(tag) =	ssettag $0x2  }
0x7c: {  	s0 =	rddreg [dreg:$0x0];
	s2 =	stileid.u32  }
0x7d: {  	s1 =	rddreg [dreg:$0x1];
	p0 =	sne.s32 s2, $0x0  }
0x7e: {  	s3 =	rddreg [dreg:$0x2];
	[bflag:$0x3] =	sbarrier.arrive $0xFFFF;
	s2 =	simm.s32 @!p0 $0x1C05  }
0x7f: {  	[timem:s3], [sflag:s2] =	dma.local @!p0 [hbm:s0], s1  }
0x80: {  	s0 =	simm.s32 @!p0 $0x5  }
0x81: {  	_ =	swait.ge @!p0 [sflag:s0], s1  }
0x82: {  	s1 =	ssub.s32 @!p0 $0x0, s1;
	[sflag:s0] =	ssyncset.done @!p0 $0x0  }
0x83: {  	[sflag:s0] =	ssyncadd.s32 @!p0 s1  }
0x84: {  	[bflag:$0x3] =	sbarrier.arrive $0xFFFF  }
0x85: {  	_ =	shalt  }

</sc_bundles>
